<compile_context>
chip_gen: v7x
topology: tpu7x:2x2x1
jax: 0.10.2.dev20260603
libtpu: 0.0.44.dev20260713+nightly
codegen_flags: <defaults>
</compile_context>

<pallas_src>
import functools

import jax
import jax.numpy as jnp
from jax import lax
from jax.experimental import pallas as pl
from jax.experimental.pallas import tpu as pltpu
from jax.experimental.pallas import tpu_sc as plsc

ROWS = 16384
COLS = 20
VOCAB = 14
EMB = 32
B = ROWS * COLS

NC, NS = 2, 16
NW = NC * NS

W = 128
K = 5
C = W * K
G = B // (NW * C)
NBUF = 4

_MESH = plsc.VectorSubcoreMesh(core_axis_name="c", subcore_axis_name="s")


@jax.jit
def _sc_gather(table, idx2d):

    @functools.partial(
        pl.kernel,
        out_type=jax.ShapeDtypeStruct((B, EMB), jnp.float32),
        mesh=_MESH,
        compiler_params=pltpu.CompilerParams(use_tc_tiling_on_sc=False),
        scratch_types=[
            pltpu.VMEM((NBUF, K, W), jnp.int32),
            pltpu.VMEM((NBUF, C, EMB), jnp.float32),
            pltpu.VMEM_SHARED((VOCAB, EMB), jnp.float32),
            pltpu.SemaphoreType.DMA,
            pltpu.SemaphoreType.DMA,
            pltpu.SemaphoreType.DMA,
            pltpu.SemaphoreType.DMA,
            pltpu.SemaphoreType.DMA,
            pltpu.SemaphoreType.DMA,
            pltpu.SemaphoreType.DMA,
            pltpu.SemaphoreType.DMA,
            pltpu.SemaphoreType.DMA,
        ],
    )
    def k(table_hbm, idx_hbm, out_hbm, idx_v, rows_v, table_v,
          g_sem, o_sem0, o_sem1, o_sem2, o_sem3,
          i_sem0, i_sem1, i_sem2, i_sem3):
        wid = lax.axis_index("s") * NC + lax.axis_index("c")
        chunk0 = wid * G
        o_sems = (o_sem0, o_sem1, o_sem2, o_sem3)
        i_sems = (i_sem0, i_sem1, i_sem2, i_sem3)

        @pl.when(lax.axis_index("s") == 0)
        def _():
            pltpu.sync_copy(table_hbm, table_v)

        plsc.subcore_barrier()

        for b in range(NBUF):
            pltpu.async_copy(
                idx_hbm.at[pl.ds((chunk0 + b) * K, K)], idx_v.at[b],
                i_sems[b],
            )

        @pl.loop(0, G, step=NBUF)
        def _(g):
            for b in range(NBUF):
                chunk = chunk0 + g + b
                @pl.when(g + b >= NBUF)
                def _():
                    pltpu.make_async_copy(
                        rows_v.at[b], out_hbm.at[pl.ds(chunk * C, C)],
                        o_sems[b],
                    ).wait()

                pltpu.make_async_copy(
                    idx_hbm.at[pl.ds(chunk * K, K)], idx_v.at[b], i_sems[b]
                ).wait()

                handles = [
                    pltpu.async_copy(
                        table_v.at[idx_v.at[b, j]],
                        rows_v.at[b, pl.ds(j * W, W)],
                        g_sem,
                    )
                    for j in range(K)
                ]
                for h in handles:
                    h.wait()

                @pl.when(g + b + NBUF < G)
                def _():
                    pltpu.async_copy(
                        idx_hbm.at[pl.ds((chunk + NBUF) * K, K)],
                        idx_v.at[b], i_sems[b],
                    )

                pltpu.async_copy(
                    rows_v.at[b], out_hbm.at[pl.ds(chunk * C, C)],
                    o_sems[b],
                )

        for b in range(NBUF):
            chunk = chunk0 + G - NBUF + b
            pltpu.make_async_copy(
                rows_v.at[b], out_hbm.at[pl.ds(chunk * C, C)], o_sems[b]
            ).wait()

    return k(table, idx2d)


def kernel(x, synth_emb_weight):
    perm = (
        jnp.arange(160, dtype=jnp.int32)
        .reshape(8, 5, 4)
        .transpose(1, 0, 2)
        .reshape(160)
    )
    idx = (
        jnp.take(x.astype(jnp.int8).reshape(ROWS // 8, 160), perm, axis=1)
        .reshape(B)
        .astype(jnp.int32)
        .reshape(B // W, W)
    )
    out = _sc_gather(synth_emb_weight, idx)
    return (
        out.reshape(ROWS // 8, 5, 8, 4 * EMB)
        .transpose(0, 2, 1, 3)
        .reshape(ROWS, COLS * EMB)
    )

# --- scband reference (transcript-rebuilt; emitter-appended) ---
"""Pipeline reference for scband-synth-flow-encoder-88399016887081 (READ-ONLY COPY).

The authoritative reference and input builder live on the scoring server;
editing this copy changes nothing except your own understanding.
"""

import jax, jax.numpy as jnp
import numpy as np

VOCAB = 14
EMB_DIM = 32

def setup_inputs(seed: int = 0) -> dict:
    key = jax.random.key(seed)
    k1, k2 = jax.random.split(key)
    x = jax.random.randint(k1, (16384, 20), 0, VOCAB, dtype=jnp.int64 if jax.config.read('jax_enable_x64') else jnp.int32)
    # xavier_uniform init for embedding table [VOCAB, EMB_DIM]
    fan_in, fan_out = VOCAB, EMB_DIM
    bound = float(np.sqrt(6.0 / (fan_in + fan_out)))
    synth_emb_weight = jax.random.uniform(k2, (VOCAB, EMB_DIM), minval=-bound, maxval=bound, dtype=jnp.float32)
    return {"x": x, "synth_emb_weight": synth_emb_weight}

def reference(x, synth_emb_weight):
    # Faithful translation: embed column 0, then concat embeddings of each subsequent column along dim=1
    x_embedding = jnp.take(synth_emb_weight, x[:, 0], axis=0)
    for i in range(1, x.shape[1]):
        x_embedding = jnp.concatenate((x_embedding, jnp.take(synth_emb_weight, x[:, i], axis=0)), axis=1)
    return x_embedding

if __name__ == "__main__":
    import jax
    _d = setup_inputs()
    print(jax.jit(kernel)(*tuple(_d.values())))

</pallas_src>

<mosaic_0001>
#map = affine_map<(d0, d1) -> (0, 0)>
module attributes {stable_mosaic.version = 14 : i64} {
  func.func @k(%arg0: i32, %arg1: i32, %arg2: memref<14x32xf32, #tpu.memory_space<hbm>>, %arg3: memref<2560x128xi32, #tpu.memory_space<hbm>>, %arg4: memref<327680x32xf32, #tpu.memory_space<hbm>>, %arg5: memref<4x5x128xi32, #tpu.memory_space<vmem>>, %arg6: memref<4x640x32xf32, #tpu.memory_space<vmem>>, %arg7: memref<14x32xf32, #tpu.memory_space<vmem_shared>>, %arg8: memref<!tpu.dma_semaphore, #tpu.memory_space<semaphore_mem>>, %arg9: memref<!tpu.dma_semaphore, #tpu.memory_space<semaphore_mem>>, %arg10: memref<!tpu.dma_semaphore, #tpu.memory_space<semaphore_mem>>, %arg11: memref<!tpu.dma_semaphore, #tpu.memory_space<semaphore_mem>>, %arg12: memref<!tpu.dma_semaphore, #tpu.memory_space<semaphore_mem>>, %arg13: memref<!tpu.dma_semaphore, #tpu.memory_space<semaphore_mem>>, %arg14: memref<!tpu.dma_semaphore, #tpu.memory_space<semaphore_mem>>, %arg15: memref<!tpu.dma_semaphore, #tpu.memory_space<semaphore_mem>>, %arg16: memref<!tpu.dma_semaphore, #tpu.memory_space<semaphore_mem>>) attributes {dimension_semantics = [#tpu.dimension_semantics<core_parallel>, #tpu.dimension_semantics<subcore_parallel>], iteration_bounds = array<i64: 2, 16>, scalar_prefetch = 0 : i64, scratch_operands = 12 : i64, tpu.core_type = #tpu.core_type<sc_vector_subcore>, window_params = [{transform_indices = #map}, {transform_indices = #map}, {transform_indices = #map}]} {
    %mul3A = arith.constant 2 : i32
    %mul3A_0 = arith.muli %arg1, %mul3A : i32
    %add3A = arith.addi %mul3A_0, %arg0 : i32
    %mul3A_1 = arith.constant 16 : i32
    %mul3A_2 = arith.muli %add3A, %mul3A_1 : i32
    %eq3A = arith.constant 0 : i32
    %eq3A_3 = arith.cmpi eq, %arg1, %eq3A : i32
    %convert_element_type3A = arith.extui %eq3A_3 : i1 to i32
    %cond3A = arith.constant 0 : i32
    %cond3A_4 = arith.cmpi ne, %convert_element_type3A, %cond3A : i32
    scf.if %cond3A_4 {
      "tpu.region"() ({
        %run_scoped3A = tpu.sem_alloc : memref<!tpu.dma_semaphore, #tpu.memory_space<semaphore_mem>>
        tpu.enqueue_dma source(%arg2 : memref<14x32xf32, #tpu.memory_space<hbm>>) target(%arg7 : memref<14x32xf32, #tpu.memory_space<vmem_shared>>) target_semaphore(%run_scoped3A : memref<!tpu.dma_semaphore, #tpu.memory_space<semaphore_mem>>)
        tpu.wait_dma2 semaphore(%run_scoped3A : memref<!tpu.dma_semaphore, #tpu.memory_space<semaphore_mem>>) src(%arg2 : memref<14x32xf32, #tpu.memory_space<hbm>>) dst(%arg7 : memref<14x32xf32, #tpu.memory_space<vmem_shared>>)
        tpu.yield
      }) : () -> ()
    } else {
    }
    %barrier3A = arith.constant 0 : index
    tpu.barrier barrier_id(%barrier3A)
    %add3A_5 = arith.constant 0 : i32
    %add3A_6 = arith.addi %mul3A_2, %add3A_5 : i32
    %mul3A_7 = arith.constant 5 : i32
    %mul3A_8 = arith.muli %add3A_6, %mul3A_7 : i32
    %dma_start3A = arith.constant 0 : i32
    %dma_start3A_9 = arith.constant 0 : i32
    %dma_start3A_10 = arith.constant 0 : i32
    %dma_start3A_11 = tpu.memref_slice %arg5[%dma_start3A, %dma_start3A_9, %dma_start3A_10] : memref<4x5x128xi32, #tpu.memory_space<vmem>> -> memref<1x5x128xi32, #tpu.memory_space<vmem>>
    %dma_start3A_12 = tpu.memref_squeeze %dma_start3A_11 : memref<1x5x128xi32, #tpu.memory_space<vmem>> -> memref<5x128xi32, #tpu.memory_space<vmem>>
    %dma_start3A_13 = arith.constant 0 : i32
    %dma_start3A_14 = tpu.memref_slice %arg3[%mul3A_8, %dma_start3A_13] : memref<2560x128xi32, #tpu.memory_space<hbm>> -> memref<5x128xi32, #tpu.memory_space<hbm>>
    %dma_start3A_15 = arith.constant 0 : i32
    %dma_start3A_16 = arith.constant 0 : i32
    %dma_start3A_17 = tpu.memref_slice %arg5[%dma_start3A, %dma_start3A_15, %dma_start3A_16] : memref<4x5x128xi32, #tpu.memory_space<vmem>> -> memref<1x5x128xi32, #tpu.memory_space<vmem>>
    %dma_start3A_18 = tpu.memref_squeeze %dma_start3A_17 : memref<1x5x128xi32, #tpu.memory_space<vmem>> -> memref<5x128xi32, #tpu.memory_space<vmem>>
    %dma_start3A_19 = arith.constant 0 : i32
    %dma_start3A_20 = tpu.memref_slice %arg3[%mul3A_8, %dma_start3A_19] : memref<2560x128xi32, #tpu.memory_space<hbm>> -> memref<5x128xi32, #tpu.memory_space<hbm>>
    tpu.enqueue_dma source(%dma_start3A_20 : memref<5x128xi32, #tpu.memory_space<hbm>>) target(%dma_start3A_18 : memref<5x128xi32, #tpu.memory_space<vmem>>) target_semaphore(%arg13 : memref<!tpu.dma_semaphore, #tpu.memory_space<semaphore_mem>>)
    %add3A_21 = arith.constant 1 : i32
    %add3A_22 = arith.addi %mul3A_2, %add3A_21 : i32
    %mul3A_23 = arith.constant 5 : i32
    %mul3A_24 = arith.muli %add3A_22, %mul3A_23 : i32
    %dma_start3A_25 = arith.constant 1 : i32
    %dma_start3A_26 = arith.constant 0 : i32
    %dma_start3A_27 = arith.constant 0 : i32
    %dma_start3A_28 = tpu.memref_slice %arg5[%dma_start3A_25, %dma_start3A_26, %dma_start3A_27] : memref<4x5x128xi32, #tpu.memory_space<vmem>> -> memref<1x5x128xi32, #tpu.memory_space<vmem>>
    %dma_start3A_29 = tpu.memref_squeeze %dma_start3A_28 : memref<1x5x128xi32, #tpu.memory_space<vmem>> -> memref<5x128xi32, #tpu.memory_space<vmem>>
    %dma_start3A_30 = arith.constant 0 : i32
    %dma_start3A_31 = tpu.memref_slice %arg3[%mul3A_24, %dma_start3A_30] : memref<2560x128xi32, #tpu.memory_space<hbm>> -> memref<5x128xi32, #tpu.memory_space<hbm>>
    %dma_start3A_32 = arith.constant 0 : i32
    %dma_start3A_33 = arith.constant 0 : i32
    %dma_start3A_34 = tpu.memref_slice %arg5[%dma_start3A_25, %dma_start3A_32, %dma_start3A_33] : memref<4x5x128xi32, #tpu.memory_space<vmem>> -> memref<1x5x128xi32, #tpu.memory_space<vmem>>
    %dma_start3A_35 = tpu.memref_squeeze %dma_start3A_34 : memref<1x5x128xi32, #tpu.memory_space<vmem>> -> memref<5x128xi32, #tpu.memory_space<vmem>>
    %dma_start3A_36 = arith.constant 0 : i32
    %dma_start3A_37 = tpu.memref_slice %arg3[%mul3A_24, %dma_start3A_36] : memref<2560x128xi32, #tpu.memory_space<hbm>> -> memref<5x128xi32, #tpu.memory_space<hbm>>
    tpu.enqueue_dma source(%dma_start3A_37 : memref<5x128xi32, #tpu.memory_space<hbm>>) target(%dma_start3A_35 : memref<5x128xi32, #tpu.memory_space<vmem>>) target_semaphore(%arg14 : memref<!tpu.dma_semaphore, #tpu.memory_space<semaphore_mem>>)
    %add3A_38 = arith.constant 2 : i32
    %add3A_39 = arith.addi %mul3A_2, %add3A_38 : i32
    %mul3A_40 = arith.constant 5 : i32
    %mul3A_41 = arith.muli %add3A_39, %mul3A_40 : i32
    %dma_start3A_42 = arith.constant 2 : i32
    %dma_start3A_43 = arith.constant 0 : i32
    %dma_start3A_44 = arith.constant 0 : i32
    %dma_start3A_45 = tpu.memref_slice %arg5[%dma_start3A_42, %dma_start3A_43, %dma_start3A_44] : memref<4x5x128xi32, #tpu.memory_space<vmem>> -> memref<1x5x128xi32, #tpu.memory_space<vmem>>
    %dma_start3A_46 = tpu.memref_squeeze %dma_start3A_45 : memref<1x5x128xi32, #tpu.memory_space<vmem>> -> memref<5x128xi32, #tpu.memory_space<vmem>>
    %dma_start3A_47 = arith.constant 0 : i32
    %dma_start3A_48 = tpu.memref_slice %arg3[%mul3A_41, %dma_start3A_47] : memref<2560x128xi32, #tpu.memory_space<hbm>> -> memref<5x128xi32, #tpu.memory_space<hbm>>
    %dma_start3A_49 = arith.constant 0 : i32
    %dma_start3A_50 = arith.constant 0 : i32
    %dma_start3A_51 = tpu.memref_slice %arg5[%dma_start3A_42, %dma_start3A_49, %dma_start3A_50] : memref<4x5x128xi32, #tpu.memory_space<vmem>> -> memref<1x5x128xi32, #tpu.memory_space<vmem>>
    %dma_start3A_52 = tpu.memref_squeeze %dma_start3A_51 : memref<1x5x128xi32, #tpu.memory_space<vmem>> -> memref<5x128xi32, #tpu.memory_space<vmem>>
    %dma_start3A_53 = arith.constant 0 : i32
    %dma_start3A_54 = tpu.memref_slice %arg3[%mul3A_41, %dma_start3A_53] : memref<2560x128xi32, #tpu.memory_space<hbm>> -> memref<5x128xi32, #tpu.memory_space<hbm>>
    tpu.enqueue_dma source(%dma_start3A_54 : memref<5x128xi32, #tpu.memory_space<hbm>>) target(%dma_start3A_52 : memref<5x128xi32, #tpu.memory_space<vmem>>) target_semaphore(%arg15 : memref<!tpu.dma_semaphore, #tpu.memory_space<semaphore_mem>>)
    %add3A_55 = arith.constant 3 : i32
    %add3A_56 = arith.addi %mul3A_2, %add3A_55 : i32
    %mul3A_57 = arith.constant 5 : i32
    %mul3A_58 = arith.muli %add3A_56, %mul3A_57 : i32
    %dma_start3A_59 = arith.constant 3 : i32
    %dma_start3A_60 = arith.constant 0 : i32
    %dma_start3A_61 = arith.constant 0 : i32
    %dma_start3A_62 = tpu.memref_slice %arg5[%dma_start3A_59, %dma_start3A_60, %dma_start3A_61] : memref<4x5x128xi32, #tpu.memory_space<vmem>> -> memref<1x5x128xi32, #tpu.memory_space<vmem>>
    %dma_start3A_63 = tpu.memref_squeeze %dma_start3A_62 : memref<1x5x128xi32, #tpu.memory_space<vmem>> -> memref<5x128xi32, #tpu.memory_space<vmem>>
    %dma_start3A_64 = arith.constant 0 : i32
    %dma_start3A_65 = tpu.memref_slice %arg3[%mul3A_58, %dma_start3A_64] : memref<2560x128xi32, #tpu.memory_space<hbm>> -> memref<5x128xi32, #tpu.memory_space<hbm>>
    %dma_start3A_66 = arith.constant 0 : i32
    %dma_start3A_67 = arith.constant 0 : i32
    %dma_start3A_68 = tpu.memref_slice %arg5[%dma_start3A_59, %dma_start3A_66, %dma_start3A_67] : memref<4x5x128xi32, #tpu.memory_space<vmem>> -> memref<1x5x128xi32, #tpu.memory_space<vmem>>
    %dma_start3A_69 = tpu.memref_squeeze %dma_start3A_68 : memref<1x5x128xi32, #tpu.memory_space<vmem>> -> memref<5x128xi32, #tpu.memory_space<vmem>>
    %dma_start3A_70 = arith.constant 0 : i32
    %dma_start3A_71 = tpu.memref_slice %arg3[%mul3A_58, %dma_start3A_70] : memref<2560x128xi32, #tpu.memory_space<hbm>> -> memref<5x128xi32, #tpu.memory_space<hbm>>
    tpu.enqueue_dma source(%dma_start3A_71 : memref<5x128xi32, #tpu.memory_space<hbm>>) target(%dma_start3A_69 : memref<5x128xi32, #tpu.memory_space<vmem>>) target_semaphore(%arg16 : memref<!tpu.dma_semaphore, #tpu.memory_space<semaphore_mem>>)
    %scan3A = arith.constant 0 : i32
    %scan3A_72 = arith.constant 4 : i32
    %scan3A_73 = arith.addi %scan3A, %scan3A_72 : i32
    %scan3A_74 = arith.constant 1 : i32
    scf.for %scan3A_158 = %scan3A to %scan3A_73 step %scan3A_74  : i32 {
      %mul3A_159 = arith.constant 4 : i32
      %mul3A_160 = arith.muli %scan3A_158, %mul3A_159 : i32
      %add3A_161 = arith.constant 0 : i32
      %add3A_162 = arith.addi %add3A_161, %mul3A_160 : i32
      %add3A_163 = arith.addi %mul3A_2, %add3A_162 : i32
      %add3A_164 = arith.constant 0 : i32
      %add3A_165 = arith.addi %add3A_163, %add3A_164 : i32
      %add3A_166 = arith.constant 0 : i32
      %add3A_167 = arith.addi %add3A_162, %add3A_166 : i32
      %ge3A = arith.constant 4 : i32
      %ge3A_168 = arith.cmpi sge, %add3A_167, %ge3A : i32
      %convert_element_type3A_169 = arith.extui %ge3A_168 : i1 to i32
      %cond3A_170 = arith.constant 0 : i32
      %cond3A_171 = arith.cmpi ne, %convert_element_type3A_169, %cond3A_170 : i32
      scf.if %cond3A_171 {
        %mul3A_877 = arith.constant 640 : i32
        %mul3A_878 = arith.muli %add3A_165, %mul3A_877 : i32
        %dma_wait3A_879 = arith.constant 0 : i32
        %dma_wait3A_880 = arith.constant 0 : i32
        %dma_wait3A_881 = arith.constant 0 : i32
        %dma_wait3A_882 = tpu.memref_slice %arg6[%dma_wait3A_879, %dma_wait3A_880, %dma_wait3A_881] : memref<4x640x32xf32, #tpu.memory_space<vmem>> -> memref<1x640x32xf32, #tpu.memory_space<vmem>>
        %dma_wait3A_883 = tpu.memref_squeeze %dma_wait3A_882 : memref<1x640x32xf32, #tpu.memory_space<vmem>> -> memref<640x32xf32, #tpu.memory_space<vmem>>
        %dma_wait3A_884 = arith.constant 0 : i32
        %dma_wait3A_885 = tpu.memref_slice %arg4[%mul3A_878, %dma_wait3A_884] : memref<327680x32xf32, #tpu.memory_space<hbm>> -> memref<640x32xf32, #tpu.memory_space<hbm>>
        %dma_wait3A_886 = arith.constant 0 : i32
        %dma_wait3A_887 = tpu.memref_slice %arg4[%mul3A_878, %dma_wait3A_886] : memref<327680x32xf32, #tpu.memory_space<hbm>> -> memref<640x32xf32, #tpu.memory_space<hbm>>
        %dma_wait3A_888 = arith.constant 0 : i32
        %dma_wait3A_889 = arith.constant 0 : i32
        %dma_wait3A_890 = tpu.memref_slice %arg6[%dma_wait3A_879, %dma_wait3A_888, %dma_wait3A_889] : memref<4x640x32xf32, #tpu.memory_space<vmem>> -> memref<1x640x32xf32, #tpu.memory_space<vmem>>
        %dma_wait3A_891 = tpu.memref_squeeze %dma_wait3A_890 : memref<1x640x32xf32, #tpu.memory_space<vmem>> -> memref<640x32xf32, #tpu.memory_space<vmem>>
        tpu.wait_dma2 semaphore(%arg9 : memref<!tpu.dma_semaphore, #tpu.memory_space<semaphore_mem>>) src(%dma_wait3A_891 : memref<640x32xf32, #tpu.memory_space<vmem>>) dst(%dma_wait3A_887 : memref<640x32xf32, #tpu.memory_space<hbm>>)
      } else {
      }
      %mul3A_172 = arith.constant 5 : i32
      %mul3A_173 = arith.muli %add3A_165, %mul3A_172 : i32
      %dma_wait3A_174 = arith.constant 0 : i32
      %dma_wait3A_175 = arith.constant 0 : i32
      %dma_wait3A_176 = arith.constant 0 : i32
      %dma_wait3A_177 = tpu.memref_slice %arg5[%dma_wait3A_174, %dma_wait3A_175, %dma_wait3A_176] : memref<4x5x128xi32, #tpu.memory_space<vmem>> -> memref<1x5x128xi32, #tpu.memory_space<vmem>>
      %dma_wait3A_178 = tpu.memref_squeeze %dma_wait3A_177 : memref<1x5x128xi32, #tpu.memory_space<vmem>> -> memref<5x128xi32, #tpu.memory_space<vmem>>
      %dma_wait3A_179 = arith.constant 0 : i32
      %dma_wait3A_180 = tpu.memref_slice %arg3[%mul3A_173, %dma_wait3A_179] : memref<2560x128xi32, #tpu.memory_space<hbm>> -> memref<5x128xi32, #tpu.memory_space<hbm>>
      %dma_wait3A_181 = arith.constant 0 : i32
      %dma_wait3A_182 = arith.constant 0 : i32
      %dma_wait3A_183 = tpu.memref_slice %arg5[%dma_wait3A_174, %dma_wait3A_181, %dma_wait3A_182] : memref<4x5x128xi32, #tpu.memory_space<vmem>> -> memref<1x5x128xi32, #tpu.memory_space<vmem>>
      %dma_wait3A_184 = tpu.memref_squeeze %dma_wait3A_183 : memref<1x5x128xi32, #tpu.memory_space<vmem>> -> memref<5x128xi32, #tpu.memory_space<vmem>>
      %dma_wait3A_185 = arith.constant 0 : i32
      %dma_wait3A_186 = tpu.memref_slice %arg3[%mul3A_173, %dma_wait3A_185] : memref<2560x128xi32, #tpu.memory_space<hbm>> -> memref<5x128xi32, #tpu.memory_space<hbm>>
      tpu.wait_dma2 semaphore(%arg13 : memref<!tpu.dma_semaphore, #tpu.memory_space<semaphore_mem>>) src(%dma_wait3A_186 : memref<5x128xi32, #tpu.memory_space<hbm>>) dst(%dma_wait3A_184 : memref<5x128xi32, #tpu.memory_space<vmem>>)
      %dma_start3A_187 = arith.constant 0 : i32
      %dma_start3A_188 = arith.constant 0 : i32
      %dma_start3A_189 = arith.constant 0 : i32
      %dma_start3A_190 = arith.constant 0 : i32
      %dma_start3A_191 = arith.constant 0 : i32
      %dma_start3A_192 = tpu.memref_slice %arg6[%dma_start3A_189, %dma_start3A_190, %dma_start3A_191] : memref<4x640x32xf32, #tpu.memory_space<vmem>> -> memref<1x128x32xf32, #tpu.memory_space<vmem>>
      %dma_start3A_193 = tpu.memref_squeeze %dma_start3A_192 : memref<1x128x32xf32, #tpu.memory_space<vmem>> -> memref<128x32xf32, #tpu.memory_space<vmem>>
      %dma_start3A_194 = arith.constant 0 : i32
      %dma_start3A_195 = tpu.memref_slice %arg5[%dma_start3A_187, %dma_start3A_188, %dma_start3A_194] : memref<4x5x128xi32, #tpu.memory_space<vmem>> -> memref<1x1x128xi32, #tpu.memory_space<vmem>>
      %dma_start3A_196 = tpu.memref_squeeze %dma_start3A_195 : memref<1x1x128xi32, #tpu.memory_space<vmem>> -> memref<128xi32, #tpu.memory_space<vmem>>
      %dma_start3A_197 = arith.constant 0 : i32
      %dma_start3A_198 = arith.constant 0 : i32
      %dma_start3A_199 = tpu.memref_slice %arg7[%dma_start3A_197, %dma_start3A_198] : memref<14x32xf32, #tpu.memory_space<vmem_shared>> -> memref<14x32xf32, #tpu.memory_space<vmem_shared>>
      tpu.enqueue_indirect_dma source(%dma_start3A_199 : memref<14x32xf32, #tpu.memory_space<vmem_shared>>) target(%dma_start3A_193 : memref<128x32xf32, #tpu.memory_space<vmem>>) offsets(%dma_start3A_196 : memref<128xi32, #tpu.memory_space<vmem>>) semaphore(%arg8 : memref<!tpu.dma_semaphore, #tpu.memory_space<semaphore_mem>>)
      %dma_start3A_200 = arith.constant 0 : i32
      %dma_start3A_201 = arith.constant 1 : i32
      %dma_start3A_202 = arith.constant 0 : i32
      %dma_start3A_203 = arith.constant 128 : i32
      %dma_start3A_204 = arith.constant 0 : i32
      %dma_start3A_205 = tpu.memref_slice %arg6[%dma_start3A_202, %dma_start3A_203, %dma_start3A_204] : memref<4x640x32xf32, #tpu.memory_space<vmem>> -> memref<1x128x32xf32, #tpu.memory_space<vmem>>
      %dma_start3A_206 = tpu.memref_squeeze %dma_start3A_205 : memref<1x128x32xf32, #tpu.memory_space<vmem>> -> memref<128x32xf32, #tpu.memory_space<vmem>>
      %dma_start3A_207 = arith.constant 0 : i32
      %dma_start3A_208 = tpu.memref_slice %arg5[%dma_start3A_200, %dma_start3A_201, %dma_start3A_207] : memref<4x5x128xi32, #tpu.memory_space<vmem>> -> memref<1x1x128xi32, #tpu.memory_space<vmem>>
      %dma_start3A_209 = tpu.memref_squeeze %dma_start3A_208 : memref<1x1x128xi32, #tpu.memory_space<vmem>> -> memref<128xi32, #tpu.memory_space<vmem>>
      %dma_start3A_210 = arith.constant 0 : i32
      %dma_start3A_211 = arith.constant 0 : i32
      %dma_start3A_212 = tpu.memref_slice %arg7[%dma_start3A_210, %dma_start3A_211] : memref<14x32xf32, #tpu.memory_space<vmem_shared>> -> memref<14x32xf32, #tpu.memory_space<vmem_shared>>
      tpu.enqueue_indirect_dma source(%dma_start3A_212 : memref<14x32xf32, #tpu.memory_space<vmem_shared>>) target(%dma_start3A_206 : memref<128x32xf32, #tpu.memory_space<vmem>>) offsets(%dma_start3A_209 : memref<128xi32, #tpu.memory_space<vmem>>) semaphore(%arg8 : memref<!tpu.dma_semaphore, #tpu.memory_space<semaphore_mem>>)
      %dma_start3A_213 = arith.constant 0 : i32
      %dma_start3A_214 = arith.constant 2 : i32
      %dma_start3A_215 = arith.constant 0 : i32
      %dma_start3A_216 = arith.constant 256 : i32
      %dma_start3A_217 = arith.constant 0 : i32
      %dma_start3A_218 = tpu.memref_slice %arg6[%dma_start3A_215, %dma_start3A_216, %dma_start3A_217] : memref<4x640x32xf32, #tpu.memory_space<vmem>> -> memref<1x128x32xf32, #tpu.memory_space<vmem>>
      %dma_start3A_219 = tpu.memref_squeeze %dma_start3A_218 : memref<1x128x32xf32, #tpu.memory_space<vmem>> -> memref<128x32xf32, #tpu.memory_space<vmem>>
      %dma_start3A_220 = arith.constant 0 : i32
      %dma_start3A_221 = tpu.memref_slice %arg5[%dma_start3A_213, %dma_start3A_214, %dma_start3A_220] : memref<4x5x128xi32, #tpu.memory_space<vmem>> -> memref<1x1x128xi32, #tpu.memory_space<vmem>>
      %dma_start3A_222 = tpu.memref_squeeze %dma_start3A_221 : memref<1x1x128xi32, #tpu.memory_space<vmem>> -> memref<128xi32, #tpu.memory_space<vmem>>
      %dma_start3A_223 = arith.constant 0 : i32
      %dma_start3A_224 = arith.constant 0 : i32
      %dma_start3A_225 = tpu.memref_slice %arg7[%dma_start3A_223, %dma_start3A_224] : memref<14x32xf32, #tpu.memory_space<vmem_shared>> -> memref<14x32xf32, #tpu.memory_space<vmem_shared>>
      tpu.enqueue_indirect_dma source(%dma_start3A_225 : memref<14x32xf32, #tpu.memory_space<vmem_shared>>) target(%dma_start3A_219 : memref<128x32xf32, #tpu.memory_space<vmem>>) offsets(%dma_start3A_222 : memref<128xi32, #tpu.memory_space<vmem>>) semaphore(%arg8 : memref<!tpu.dma_semaphore, #tpu.memory_space<semaphore_mem>>)
      %dma_start3A_226 = arith.constant 0 : i32
      %dma_start3A_227 = arith.constant 3 : i32
      %dma_start3A_228 = arith.constant 0 : i32
      %dma_start3A_229 = arith.constant 384 : i32
      %dma_start3A_230 = arith.constant 0 : i32
      %dma_start3A_231 = tpu.memref_slice %arg6[%dma_start3A_228, %dma_start3A_229, %dma_start3A_230] : memref<4x640x32xf32, #tpu.memory_space<vmem>> -> memref<1x128x32xf32, #tpu.memory_space<vmem>>
      %dma_start3A_232 = tpu.memref_squeeze %dma_start3A_231 : memref<1x128x32xf32, #tpu.memory_space<vmem>> -> memref<128x32xf32, #tpu.memory_space<vmem>>
      %dma_start3A_233 = arith.constant 0 : i32
      %dma_start3A_234 = tpu.memref_slice %arg5[%dma_start3A_226, %dma_start3A_227, %dma_start3A_233] : memref<4x5x128xi32, #tpu.memory_space<vmem>> -> memref<1x1x128xi32, #tpu.memory_space<vmem>>
      %dma_start3A_235 = tpu.memref_squeeze %dma_start3A_234 : memref<1x1x128xi32, #tpu.memory_space<vmem>> -> memref<128xi32, #tpu.memory_space<vmem>>
      %dma_start3A_236 = arith.constant 0 : i32
      %dma_start3A_237 = arith.constant 0 : i32
      %dma_start3A_238 = tpu.memref_slice %arg7[%dma_start3A_236, %dma_start3A_237] : memref<14x32xf32, #tpu.memory_space<vmem_shared>> -> memref<14x32xf32, #tpu.memory_space<vmem_shared>>
      tpu.enqueue_indirect_dma source(%dma_start3A_238 : memref<14x32xf32, #tpu.memory_space<vmem_shared>>) target(%dma_start3A_232 : memref<128x32xf32, #tpu.memory_space<vmem>>) offsets(%dma_start3A_235 : memref<128xi32, #tpu.memory_space<vmem>>) semaphore(%arg8 : memref<!tpu.dma_semaphore, #tpu.memory_space<semaphore_mem>>)
      %dma_start3A_239 = arith.constant 0 : i32
      %dma_start3A_240 = arith.constant 4 : i32
      %dma_start3A_241 = arith.constant 0 : i32
      %dma_start3A_242 = arith.constant 512 : i32
      %dma_start3A_243 = arith.constant 0 : i32
      %dma_start3A_244 = tpu.memref_slice %arg6[%dma_start3A_241, %dma_start3A_242, %dma_start3A_243] : memref<4x640x32xf32, #tpu.memory_space<vmem>> -> memref<1x128x32xf32, #tpu.memory_space<vmem>>
      %dma_start3A_245 = tpu.memref_squeeze %dma_start3A_244 : memref<1x128x32xf32, #tpu.memory_space<vmem>> -> memref<128x32xf32, #tpu.memory_space<vmem>>
      %dma_start3A_246 = arith.constant 0 : i32
      %dma_start3A_247 = tpu.memref_slice %arg5[%dma_start3A_239, %dma_start3A_240, %dma_start3A_246] : memref<4x5x128xi32, #tpu.memory_space<vmem>> -> memref<1x1x128xi32, #tpu.memory_space<vmem>>
      %dma_start3A_248 = tpu.memref_squeeze %dma_start3A_247 : memref<1x1x128xi32, #tpu.memory_space<vmem>> -> memref<128xi32, #tpu.memory_space<vmem>>
      %dma_start3A_249 = arith.constant 0 : i32
      %dma_start3A_250 = arith.constant 0 : i32
      %dma_start3A_251 = tpu.memref_slice %arg7[%dma_start3A_249, %dma_start3A_250] : memref<14x32xf32, #tpu.memory_space<vmem_shared>> -> memref<14x32xf32, #tpu.memory_space<vmem_shared>>
      tpu.enqueue_indirect_dma source(%dma_start3A_251 : memref<14x32xf32, #tpu.memory_space<vmem_shared>>) target(%dma_start3A_245 : memref<128x32xf32, #tpu.memory_space<vmem>>) offsets(%dma_start3A_248 : memref<128xi32, #tpu.memory_space<vmem>>) semaphore(%arg8 : memref<!tpu.dma_semaphore, #tpu.memory_space<semaphore_mem>>)
      %dma_wait3A_252 = arith.constant 0 : i32
      %dma_wait3A_253 = arith.constant 0 : i32
      %dma_wait3A_254 = arith.constant 0 : i32
      %dma_wait3A_255 = arith.constant 0 : i32
      %dma_wait3A_256 = arith.constant 0 : i32
      %dma_wait3A_257 = tpu.memref_slice %arg6[%dma_wait3A_254, %dma_wait3A_255, %dma_wait3A_256] : memref<4x640x32xf32, #tpu.memory_space<vmem>> -> memref<1x128x32xf32, #tpu.memory_space<vmem>>
      %dma_wait3A_258 = tpu.memref_squeeze %dma_wait3A_257 : memref<1x128x32xf32, #tpu.memory_space<vmem>> -> memref<128x32xf32, #tpu.memory_space<vmem>>
      %dma_wait3A_259 = arith.constant 0 : i32
      %dma_wait3A_260 = tpu.memref_slice %arg5[%dma_wait3A_252, %dma_wait3A_253, %dma_wait3A_259] : memref<4x5x128xi32, #tpu.memory_space<vmem>> -> memref<1x1x128xi32, #tpu.memory_space<vmem>>
      %dma_wait3A_261 = tpu.memref_squeeze %dma_wait3A_260 : memref<1x1x128xi32, #tpu.memory_space<vmem>> -> memref<128xi32, #tpu.memory_space<vmem>>
      %dma_wait3A_262 = arith.constant 0 : i32
      %dma_wait3A_263 = arith.constant 0 : i32
      %dma_wait3A_264 = tpu.memref_slice %arg7[%dma_wait3A_262, %dma_wait3A_263] : memref<14x32xf32, #tpu.memory_space<vmem_shared>> -> memref<14x32xf32, #tpu.memory_space<vmem_shared>>
      tpu.wait_indirect_dma semaphore(%arg8 : memref<!tpu.dma_semaphore, #tpu.memory_space<semaphore_mem>>) src(%dma_wait3A_264 : memref<14x32xf32, #tpu.memory_space<vmem_shared>>) dst(%dma_wait3A_258 : memref<128x32xf32, #tpu.memory_space<vmem>>)
      %dma_wait3A_265 = arith.constant 0 : i32
      %dma_wait3A_266 = arith.constant 1 : i32
      %dma_wait3A_267 = arith.constant 0 : i32
      %dma_wait3A_268 = arith.constant 128 : i32
      %dma_wait3A_269 = arith.constant 0 : i32
      %dma_wait3A_270 = tpu.memref_slice %arg6[%dma_wait3A_267, %dma_wait3A_268, %dma_wait3A_269] : memref<4x640x32xf32, #tpu.memory_space<vmem>> -> memref<1x128x32xf32, #tpu.memory_space<vmem>>
      %dma_wait3A_271 = tpu.memref_squeeze %dma_wait3A_270 : memref<1x128x32xf32, #tpu.memory_space<vmem>> -> memref<128x32xf32, #tpu.memory_space<vmem>>
      %dma_wait3A_272 = arith.constant 0 : i32
      %dma_wait3A_273 = tpu.memref_slice %arg5[%dma_wait3A_265, %dma_wait3A_266, %dma_wait3A_272] : memref<4x5x128xi32, #tpu.memory_space<vmem>> -> memref<1x1x128xi32, #tpu.memory_space<vmem>>
      %dma_wait3A_274 = tpu.memref_squeeze %dma_wait3A_273 : memref<1x1x128xi32, #tpu.memory_space<vmem>> -> memref<128xi32, #tpu.memory_space<vmem>>
      %dma_wait3A_275 = arith.constant 0 : i32
      %dma_wait3A_276 = arith.constant 0 : i32
      %dma_wait3A_277 = tpu.memref_slice %arg7[%dma_wait3A_275, %dma_wait3A_276] : memref<14x32xf32, #tpu.memory_space<vmem_shared>> -> memref<14x32xf32, #tpu.memory_space<vmem_shared>>
      tpu.wait_indirect_dma semaphore(%arg8 : memref<!tpu.dma_semaphore, #tpu.memory_space<semaphore_mem>>) src(%dma_wait3A_277 : memref<14x32xf32, #tpu.memory_space<vmem_shared>>) dst(%dma_wait3A_271 : memref<128x32xf32, #tpu.memory_space<vmem>>)
      %dma_wait3A_278 = arith.constant 0 : i32
      %dma_wait3A_279 = arith.constant 2 : i32
      %dma_wait3A_280 = arith.constant 0 : i32
      %dma_wait3A_281 = arith.constant 256 : i32
      %dma_wait3A_282 = arith.constant 0 : i32
      %dma_wait3A_283 = tpu.memref_slice %arg6[%dma_wait3A_280, %dma_wait3A_281, %dma_wait3A_282] : memref<4x640x32xf32, #tpu.memory_space<vmem>> -> memref<1x128x32xf32, #tpu.memory_space<vmem>>
      %dma_wait3A_284 = tpu.memref_squeeze %dma_wait3A_283 : memref<1x128x32xf32, #tpu.memory_space<vmem>> -> memref<128x32xf32, #tpu.memory_space<vmem>>
      %dma_wait3A_285 = arith.constant 0 : i32
      %dma_wait3A_286 = tpu.memref_slice %arg5[%dma_wait3A_278, %dma_wait3A_279, %dma_wait3A_285] : memref<4x5x128xi32, #tpu.memory_space<vmem>> -> memref<1x1x128xi32, #tpu.memory_space<vmem>>
      %dma_wait3A_287 = tpu.memref_squeeze %dma_wait3A_286 : memref<1x1x128xi32, #tpu.memory_space<vmem>> -> memref<128xi32, #tpu.memory_space<vmem>>
      %dma_wait3A_288 = arith.constant 0 : i32
      %dma_wait3A_289 = arith.constant 0 : i32
      %dma_wait3A_290 = tpu.memref_slice %arg7[%dma_wait3A_288, %dma_wait3A_289] : memref<14x32xf32, #tpu.memory_space<vmem_shared>> -> memref<14x32xf32, #tpu.memory_space<vmem_shared>>
      tpu.wait_indirect_dma semaphore(%arg8 : memref<!tpu.dma_semaphore, #tpu.memory_space<semaphore_mem>>) src(%dma_wait3A_290 : memref<14x32xf32, #tpu.memory_space<vmem_shared>>) dst(%dma_wait3A_284 : memref<128x32xf32, #tpu.memory_space<vmem>>)
      %dma_wait3A_291 = arith.constant 0 : i32
      %dma_wait3A_292 = arith.constant 3 : i32
      %dma_wait3A_293 = arith.constant 0 : i32
      %dma_wait3A_294 = arith.constant 384 : i32
      %dma_wait3A_295 = arith.constant 0 : i32
      %dma_wait3A_296 = tpu.memref_slice %arg6[%dma_wait3A_293, %dma_wait3A_294, %dma_wait3A_295] : memref<4x640x32xf32, #tpu.memory_space<vmem>> -> memref<1x128x32xf32, #tpu.memory_space<vmem>>
      %dma_wait3A_297 = tpu.memref_squeeze %dma_wait3A_296 : memref<1x128x32xf32, #tpu.memory_space<vmem>> -> memref<128x32xf32, #tpu.memory_space<vmem>>
      %dma_wait3A_298 = arith.constant 0 : i32
      %dma_wait3A_299 = tpu.memref_slice %arg5[%dma_wait3A_291, %dma_wait3A_292, %dma_wait3A_298] : memref<4x5x128xi32, #tpu.memory_space<vmem>> -> memref<1x1x128xi32, #tpu.memory_space<vmem>>
      %dma_wait3A_300 = tpu.memref_squeeze %dma_wait3A_299 : memref<1x1x128xi32, #tpu.memory_space<vmem>> -> memref<128xi32, #tpu.memory_space<vmem>>
      %dma_wait3A_301 = arith.constant 0 : i32
      %dma_wait3A_302 = arith.constant 0 : i32
      %dma_wait3A_303 = tpu.memref_slice %arg7[%dma_wait3A_301, %dma_wait3A_302] : memref<14x32xf32, #tpu.memory_space<vmem_shared>> -> memref<14x32xf32, #tpu.memory_space<vmem_shared>>
      tpu.wait_indirect_dma semaphore(%arg8 : memref<!tpu.dma_semaphore, #tpu.memory_space<semaphore_mem>>) src(%dma_wait3A_303 : memref<14x32xf32, #tpu.memory_space<vmem_shared>>) dst(%dma_wait3A_297 : memref<128x32xf32, #tpu.memory_space<vmem>>)
      %dma_wait3A_304 = arith.constant 0 : i32
      %dma_wait3A_305 = arith.constant 4 : i32
      %dma_wait3A_306 = arith.constant 0 : i32
      %dma_wait3A_307 = arith.constant 512 : i32
      %dma_wait3A_308 = arith.constant 0 : i32
      %dma_wait3A_309 = tpu.memref_slice %arg6[%dma_wait3A_306, %dma_wait3A_307, %dma_wait3A_308] : memref<4x640x32xf32, #tpu.memory_space<vmem>> -> memref<1x128x32xf32, #tpu.memory_space<vmem>>
      %dma_wait3A_310 = tpu.memref_squeeze %dma_wait3A_309 : memref<1x128x32xf32, #tpu.memory_space<vmem>> -> memref<128x32xf32, #tpu.memory_space<vmem>>
      %dma_wait3A_311 = arith.constant 0 : i32
      %dma_wait3A_312 = tpu.memref_slice %arg5[%dma_wait3A_304, %dma_wait3A_305, %dma_wait3A_311] : memref<4x5x128xi32, #tpu.memory_space<vmem>> -> memref<1x1x128xi32, #tpu.memory_space<vmem>>
      %dma_wait3A_313 = tpu.memref_squeeze %dma_wait3A_312 : memref<1x1x128xi32, #tpu.memory_space<vmem>> -> memref<128xi32, #tpu.memory_space<vmem>>
      %dma_wait3A_314 = arith.constant 0 : i32
      %dma_wait3A_315 = arith.constant 0 : i32
      %dma_wait3A_316 = tpu.memref_slice %arg7[%dma_wait3A_314, %dma_wait3A_315] : memref<14x32xf32, #tpu.memory_space<vmem_shared>> -> memref<14x32xf32, #tpu.memory_space<vmem_shared>>
      tpu.wait_indirect_dma semaphore(%arg8 : memref<!tpu.dma_semaphore, #tpu.memory_space<semaphore_mem>>) src(%dma_wait3A_316 : memref<14x32xf32, #tpu.memory_space<vmem_shared>>) dst(%dma_wait3A_310 : memref<128x32xf32, #tpu.memory_space<vmem>>)
      %add3A_317 = arith.constant 0 : i32
      %add3A_318 = arith.addi %add3A_162, %add3A_317 : i32
      %add3A_319 = arith.constant 4 : i32
      %add3A_320 = arith.addi %add3A_318, %add3A_319 : i32
      %lt3A = arith.constant 16 : i32
      %lt3A_321 = arith.cmpi slt, %add3A_320, %lt3A : i32
      %convert_element_type3A_322 = arith.extui %lt3A_321 : i1 to i32
      %cond3A_323 = arith.constant 0 : i32
      %cond3A_324 = arith.cmpi ne, %convert_element_type3A_322, %cond3A_323 : i32
      scf.if %cond3A_324 {
        %add3A_877 = arith.constant 4 : i32
        %add3A_878 = arith.addi %add3A_165, %add3A_877 : i32
        %mul3A_879 = arith.constant 5 : i32
        %mul3A_880 = arith.muli %add3A_878, %mul3A_879 : i32
        %dma_start3A_881 = arith.constant 0 : i32
        %dma_start3A_882 = arith.constant 0 : i32
        %dma_start3A_883 = arith.constant 0 : i32
        %dma_start3A_884 = tpu.memref_slice %arg5[%dma_start3A_881, %dma_start3A_882, %dma_start3A_883] : memref<4x5x128xi32, #tpu.memory_space<vmem>> -> memref<1x5x128xi32, #tpu.memory_space<vmem>>
        %dma_start3A_885 = tpu.memref_squeeze %dma_start3A_884 : memref<1x5x128xi32, #tpu.memory_space<vmem>> -> memref<5x128xi32, #tpu.memory_space<vmem>>
        %dma_start3A_886 = arith.constant 0 : i32
        %dma_start3A_887 = tpu.memref_slice %arg3[%mul3A_880, %dma_start3A_886] : memref<2560x128xi32, #tpu.memory_space<hbm>> -> memref<5x128xi32, #tpu.memory_space<hbm>>
        %dma_start3A_888 = arith.constant 0 : i32
        %dma_start3A_889 = arith.constant 0 : i32
        %dma_start3A_890 = tpu.memref_slice %arg5[%dma_start3A_881, %dma_start3A_888, %dma_start3A_889] : memref<4x5x128xi32, #tpu.memory_space<vmem>> -> memref<1x5x128xi32, #tpu.memory_space<vmem>>
        %dma_start3A_891 = tpu.memref_squeeze %dma_start3A_890 : memref<1x5x128xi32, #tpu.memory_space<vmem>> -> memref<5x128xi32, #tpu.memory_space<vmem>>
        %dma_start3A_892 = arith.constant 0 : i32
        %dma_start3A_893 = tpu.memref_slice %arg3[%mul3A_880, %dma_start3A_892] : memref<2560x128xi32, #tpu.memory_space<hbm>> -> memref<5x128xi32, #tpu.memory_space<hbm>>
        tpu.enqueue_dma source(%dma_start3A_893 : memref<5x128xi32, #tpu.memory_space<hbm>>) target(%dma_start3A_891 : memref<5x128xi32, #tpu.memory_space<vmem>>) target_semaphore(%arg13 : memref<!tpu.dma_semaphore, #tpu.memory_space<semaphore_mem>>)
      } else {
      }
      %mul3A_325 = arith.constant 640 : i32
      %mul3A_326 = arith.muli %add3A_165, %mul3A_325 : i32
      %dma_start3A_327 = arith.constant 0 : i32
      %dma_start3A_328 = arith.constant 0 : i32
      %dma_start3A_329 = arith.constant 0 : i32
      %dma_start3A_330 = tpu.memref_slice %arg6[%dma_start3A_327, %dma_start3A_328, %dma_start3A_329] : memref<4x640x32xf32, #tpu.memory_space<vmem>> -> memref<1x640x32xf32, #tpu.memory_space<vmem>>
      %dma_start3A_331 = tpu.memref_squeeze %dma_start3A_330 : memref<1x640x32xf32, #tpu.memory_space<vmem>> -> memref<640x32xf32, #tpu.memory_space<vmem>>
      %dma_start3A_332 = arith.constant 0 : i32
      %dma_start3A_333 = tpu.memref_slice %arg4[%mul3A_326, %dma_start3A_332] : memref<327680x32xf32, #tpu.memory_space<hbm>> -> memref<640x32xf32, #tpu.memory_space<hbm>>
      %dma_start3A_334 = arith.constant 0 : i32
      %dma_start3A_335 = tpu.memref_slice %arg4[%mul3A_326, %dma_start3A_334] : memref<327680x32xf32, #tpu.memory_space<hbm>> -> memref<640x32xf32, #tpu.memory_space<hbm>>
      %dma_start3A_336 = arith.constant 0 : i32
      %dma_start3A_337 = arith.constant 0 : i32
      %dma_start3A_338 = tpu.memref_slice %arg6[%dma_start3A_327, %dma_start3A_336, %dma_start3A_337] : memref<4x640x32xf32, #tpu.memory_space<vmem>> -> memref<1x640x32xf32, #tpu.memory_space<vmem>>
      %dma_start3A_339 = tpu.memref_squeeze %dma_start3A_338 : memref<1x640x32xf32, #tpu.memory_space<vmem>> -> memref<640x32xf32, #tpu.memory_space<vmem>>
      tpu.enqueue_dma source(%dma_start3A_339 : memref<640x32xf32, #tpu.memory_space<vmem>>) target(%dma_start3A_335 : memref<640x32xf32, #tpu.memory_space<hbm>>) target_semaphore(%arg9 : memref<!tpu.dma_semaphore, #tpu.memory_space<semaphore_mem>>)
      %add3A_340 = arith.addi %mul3A_2, %add3A_162 : i32
      %add3A_341 = arith.constant 1 : i32
      %add3A_342 = arith.addi %add3A_340, %add3A_341 : i32
      %add3A_343 = arith.constant 1 : i32
      %add3A_344 = arith.addi %add3A_162, %add3A_343 : i32
      %ge3A_345 = arith.constant 4 : i32
      %ge3A_346 = arith.cmpi sge, %add3A_344, %ge3A_345 : i32
      %convert_element_type3A_347 = arith.extui %ge3A_346 : i1 to i32
      %cond3A_348 = arith.constant 0 : i32
      %cond3A_349 = arith.cmpi ne, %convert_element_type3A_347, %cond3A_348 : i32
      scf.if %cond3A_349 {
        %mul3A_877 = arith.constant 640 : i32
        %mul3A_878 = arith.muli %add3A_342, %mul3A_877 : i32
        %dma_wait3A_879 = arith.constant 1 : i32
        %dma_wait3A_880 = arith.constant 0 : i32
        %dma_wait3A_881 = arith.constant 0 : i32
        %dma_wait3A_882 = tpu.memref_slice %arg6[%dma_wait3A_879, %dma_wait3A_880, %dma_wait3A_881] : memref<4x640x32xf32, #tpu.memory_space<vmem>> -> memref<1x640x32xf32, #tpu.memory_space<vmem>>
        %dma_wait3A_883 = tpu.memref_squeeze %dma_wait3A_882 : memref<1x640x32xf32, #tpu.memory_space<vmem>> -> memref<640x32xf32, #tpu.memory_space<vmem>>
        %dma_wait3A_884 = arith.constant 0 : i32
        %dma_wait3A_885 = tpu.memref_slice %arg4[%mul3A_878, %dma_wait3A_884] : memref<327680x32xf32, #tpu.memory_space<hbm>> -> memref<640x32xf32, #tpu.memory_space<hbm>>
        %dma_wait3A_886 = arith.constant 0 : i32
        %dma_wait3A_887 = tpu.memref_slice %arg4[%mul3A_878, %dma_wait3A_886] : memref<327680x32xf32, #tpu.memory_space<hbm>> -> memref<640x32xf32, #tpu.memory_space<hbm>>
        %dma_wait3A_888 = arith.constant 0 : i32
        %dma_wait3A_889 = arith.constant 0 : i32
        %dma_wait3A_890 = tpu.memref_slice %arg6[%dma_wait3A_879, %dma_wait3A_888, %dma_wait3A_889] : memref<4x640x32xf32, #tpu.memory_space<vmem>> -> memref<1x640x32xf32, #tpu.memory_space<vmem>>
        %dma_wait3A_891 = tpu.memref_squeeze %dma_wait3A_890 : memref<1x640x32xf32, #tpu.memory_space<vmem>> -> memref<640x32xf32, #tpu.memory_space<vmem>>
        tpu.wait_dma2 semaphore(%arg10 : memref<!tpu.dma_semaphore, #tpu.memory_space<semaphore_mem>>) src(%dma_wait3A_891 : memref<640x32xf32, #tpu.memory_space<vmem>>) dst(%dma_wait3A_887 : memref<640x32xf32, #tpu.memory_space<hbm>>)
      } else {
      }
      %mul3A_350 = arith.constant 5 : i32
      %mul3A_351 = arith.muli %add3A_342, %mul3A_350 : i32
      %dma_wait3A_352 = arith.constant 1 : i32
      %dma_wait3A_353 = arith.constant 0 : i32
      %dma_wait3A_354 = arith.constant 0 : i32
      %dma_wait3A_355 = tpu.memref_slice %arg5[%dma_wait3A_352, %dma_wait3A_353, %dma_wait3A_354] : memref<4x5x128xi32, #tpu.memory_space<vmem>> -> memref<1x5x128xi32, #tpu.memory_space<vmem>>
      %dma_wait3A_356 = tpu.memref_squeeze %dma_wait3A_355 : memref<1x5x128xi32, #tpu.memory_space<vmem>> -> memref<5x128xi32, #tpu.memory_space<vmem>>
      %dma_wait3A_357 = arith.constant 0 : i32
      %dma_wait3A_358 = tpu.memref_slice %arg3[%mul3A_351, %dma_wait3A_357] : memref<2560x128xi32, #tpu.memory_space<hbm>> -> memref<5x128xi32, #tpu.memory_space<hbm>>
      %dma_wait3A_359 = arith.constant 0 : i32
      %dma_wait3A_360 = arith.constant 0 : i32
      %dma_wait3A_361 = tpu.memref_slice %arg5[%dma_wait3A_352, %dma_wait3A_359, %dma_wait3A_360] : memref<4x5x128xi32, #tpu.memory_space<vmem>> -> memref<1x5x128xi32, #tpu.memory_space<vmem>>
      %dma_wait3A_362 = tpu.memref_squeeze %dma_wait3A_361 : memref<1x5x128xi32, #tpu.memory_space<vmem>> -> memref<5x128xi32, #tpu.memory_space<vmem>>
      %dma_wait3A_363 = arith.constant 0 : i32
      %dma_wait3A_364 = tpu.memref_slice %arg3[%mul3A_351, %dma_wait3A_363] : memref<2560x128xi32, #tpu.memory_space<hbm>> -> memref<5x128xi32, #tpu.memory_space<hbm>>
      tpu.wait_dma2 semaphore(%arg14 : memref<!tpu.dma_semaphore, #tpu.memory_space<semaphore_mem>>) src(%dma_wait3A_364 : memref<5x128xi32, #tpu.memory_space<hbm>>) dst(%dma_wait3A_362 : memref<5x128xi32, #tpu.memory_space<vmem>>)
      %dma_start3A_365 = arith.constant 1 : i32
      %dma_start3A_366 = arith.constant 0 : i32
      %dma_start3A_367 = arith.constant 1 : i32
      %dma_start3A_368 = arith.constant 0 : i32
      %dma_start3A_369 = arith.constant 0 : i32
      %dma_start3A_370 = tpu.memref_slice %arg6[%dma_start3A_367, %dma_start3A_368, %dma_start3A_369] : memref<4x640x32xf32, #tpu.memory_space<vmem>> -> memref<1x128x32xf32, #tpu.memory_space<vmem>>
      %dma_start3A_371 = tpu.memref_squeeze %dma_start3A_370 : memref<1x128x32xf32, #tpu.memory_space<vmem>> -> memref<128x32xf32, #tpu.memory_space<vmem>>
      %dma_start3A_372 = arith.constant 0 : i32
      %dma_start3A_373 = tpu.memref_slice %arg5[%dma_start3A_365, %dma_start3A_366, %dma_start3A_372] : memref<4x5x128xi32, #tpu.memory_space<vmem>> -> memref<1x1x128xi32, #tpu.memory_space<vmem>>
      %dma_start3A_374 = tpu.memref_squeeze %dma_start3A_373 : memref<1x1x128xi32, #tpu.memory_space<vmem>> -> memref<128xi32, #tpu.memory_space<vmem>>
      %dma_start3A_375 = arith.constant 0 : i32
      %dma_start3A_376 = arith.constant 0 : i32
      %dma_start3A_377 = tpu.memref_slice %arg7[%dma_start3A_375, %dma_start3A_376] : memref<14x32xf32, #tpu.memory_space<vmem_shared>> -> memref<14x32xf32, #tpu.memory_space<vmem_shared>>
      tpu.enqueue_indirect_dma source(%dma_start3A_377 : memref<14x32xf32, #tpu.memory_space<vmem_shared>>) target(%dma_start3A_371 : memref<128x32xf32, #tpu.memory_space<vmem>>) offsets(%dma_start3A_374 : memref<128xi32, #tpu.memory_space<vmem>>) semaphore(%arg8 : memref<!tpu.dma_semaphore, #tpu.memory_space<semaphore_mem>>)
      %dma_start3A_378 = arith.constant 1 : i32
      %dma_start3A_379 = arith.constant 1 : i32
      %dma_start3A_380 = arith.constant 1 : i32
      %dma_start3A_381 = arith.constant 128 : i32
      %dma_start3A_382 = arith.constant 0 : i32
      %dma_start3A_383 = tpu.memref_slice %arg6[%dma_start3A_380, %dma_start3A_381, %dma_start3A_382] : memref<4x640x32xf32, #tpu.memory_space<vmem>> -> memref<1x128x32xf32, #tpu.memory_space<vmem>>
      %dma_start3A_384 = tpu.memref_squeeze %dma_start3A_383 : memref<1x128x32xf32, #tpu.memory_space<vmem>> -> memref<128x32xf32, #tpu.memory_space<vmem>>
      %dma_start3A_385 = arith.constant 0 : i32
      %dma_start3A_386 = tpu.memref_slice %arg5[%dma_start3A_378, %dma_start3A_379, %dma_start3A_385] : memref<4x5x128xi32, #tpu.memory_space<vmem>> -> memref<1x1x128xi32, #tpu.memory_space<vmem>>
      %dma_start3A_387 = tpu.memref_squeeze %dma_start3A_386 : memref<1x1x128xi32, #tpu.memory_space<vmem>> -> memref<128xi32, #tpu.memory_space<vmem>>
      %dma_start3A_388 = arith.constant 0 : i32
      %dma_start3A_389 = arith.constant 0 : i32
      %dma_start3A_390 = tpu.memref_slice %arg7[%dma_start3A_388, %dma_start3A_389] : memref<14x32xf32, #tpu.memory_space<vmem_shared>> -> memref<14x32xf32, #tpu.memory_space<vmem_shared>>
      tpu.enqueue_indirect_dma source(%dma_start3A_390 : memref<14x32xf32, #tpu.memory_space<vmem_shared>>) target(%dma_start3A_384 : memref<128x32xf32, #tpu.memory_space<vmem>>) offsets(%dma_start3A_387 : memref<128xi32, #tpu.memory_space<vmem>>) semaphore(%arg8 : memref<!tpu.dma_semaphore, #tpu.memory_space<semaphore_mem>>)
      %dma_start3A_391 = arith.constant 1 : i32
      %dma_start3A_392 = arith.constant 2 : i32
      %dma_start3A_393 = arith.constant 1 : i32
      %dma_start3A_394 = arith.constant 256 : i32
      %dma_start3A_395 = arith.constant 0 : i32
      %dma_start3A_396 = tpu.memref_slice %arg6[%dma_start3A_393, %dma_start3A_394, %dma_start3A_395] : memref<4x640x32xf32, #tpu.memory_space<vmem>> -> memref<1x128x32xf32, #tpu.memory_space<vmem>>
      %dma_start3A_397 = tpu.memref_squeeze %dma_start3A_396 : memref<1x128x32xf32, #tpu.memory_space<vmem>> -> memref<128x32xf32, #tpu.memory_space<vmem>>
      %dma_start3A_398 = arith.constant 0 : i32
      %dma_start3A_399 = tpu.memref_slice %arg5[%dma_start3A_391, %dma_start3A_392, %dma_start3A_398] : memref<4x5x128xi32, #tpu.memory_space<vmem>> -> memref<1x1x128xi32, #tpu.memory_space<vmem>>
      %dma_start3A_400 = tpu.memref_squeeze %dma_start3A_399 : memref<1x1x128xi32, #tpu.memory_space<vmem>> -> memref<128xi32, #tpu.memory_space<vmem>>
      %dma_start3A_401 = arith.constant 0 : i32
      %dma_start3A_402 = arith.constant 0 : i32
      %dma_start3A_403 = tpu.memref_slice %arg7[%dma_start3A_401, %dma_start3A_402] : memref<14x32xf32, #tpu.memory_space<vmem_shared>> -> memref<14x32xf32, #tpu.memory_space<vmem_shared>>
      tpu.enqueue_indirect_dma source(%dma_start3A_403 : memref<14x32xf32, #tpu.memory_space<vmem_shared>>) target(%dma_start3A_397 : memref<128x32xf32, #tpu.memory_space<vmem>>) offsets(%dma_start3A_400 : memref<128xi32, #tpu.memory_space<vmem>>) semaphore(%arg8 : memref<!tpu.dma_semaphore, #tpu.memory_space<semaphore_mem>>)
      %dma_start3A_404 = arith.constant 1 : i32
      %dma_start3A_405 = arith.constant 3 : i32
      %dma_start3A_406 = arith.constant 1 : i32
      %dma_start3A_407 = arith.constant 384 : i32
      %dma_start3A_408 = arith.constant 0 : i32
      %dma_start3A_409 = tpu.memref_slice %arg6[%dma_start3A_406, %dma_start3A_407, %dma_start3A_408] : memref<4x640x32xf32, #tpu.memory_space<vmem>> -> memref<1x128x32xf32, #tpu.memory_space<vmem>>
      %dma_start3A_410 = tpu.memref_squeeze %dma_start3A_409 : memref<1x128x32xf32, #tpu.memory_space<vmem>> -> memref<128x32xf32, #tpu.memory_space<vmem>>
      %dma_start3A_411 = arith.constant 0 : i32
      %dma_start3A_412 = tpu.memref_slice %arg5[%dma_start3A_404, %dma_start3A_405, %dma_start3A_411] : memref<4x5x128xi32, #tpu.memory_space<vmem>> -> memref<1x1x128xi32, #tpu.memory_space<vmem>>
      %dma_start3A_413 = tpu.memref_squeeze %dma_start3A_412 : memref<1x1x128xi32, #tpu.memory_space<vmem>> -> memref<128xi32, #tpu.memory_space<vmem>>
      %dma_start3A_414 = arith.constant 0 : i32
      %dma_start3A_415 = arith.constant 0 : i32
      %dma_start3A_416 = tpu.memref_slice %arg7[%dma_start3A_414, %dma_start3A_415] : memref<14x32xf32, #tpu.memory_space<vmem_shared>> -> memref<14x32xf32, #tpu.memory_space<vmem_shared>>
      tpu.enqueue_indirect_dma source(%dma_start3A_416 : memref<14x32xf32, #tpu.memory_space<vmem_shared>>) target(%dma_start3A_410 : memref<128x32xf32, #tpu.memory_space<vmem>>) offsets(%dma_start3A_413 : memref<128xi32, #tpu.memory_space<vmem>>) semaphore(%arg8 : memref<!tpu.dma_semaphore, #tpu.memory_space<semaphore_mem>>)
      %dma_start3A_417 = arith.constant 1 : i32
      %dma_start3A_418 = arith.constant 4 : i32
      %dma_start3A_419 = arith.constant 1 : i32
      %dma_start3A_420 = arith.constant 512 : i32
      %dma_start3A_421 = arith.constant 0 : i32
      %dma_start3A_422 = tpu.memref_slice %arg6[%dma_start3A_419, %dma_start3A_420, %dma_start3A_421] : memref<4x640x32xf32, #tpu.memory_space<vmem>> -> memref<1x128x32xf32, #tpu.memory_space<vmem>>
      %dma_start3A_423 = tpu.memref_squeeze %dma_start3A_422 : memref<1x128x32xf32, #tpu.memory_space<vmem>> -> memref<128x32xf32, #tpu.memory_space<vmem>>
      %dma_start3A_424 = arith.constant 0 : i32
      %dma_start3A_425 = tpu.memref_slice %arg5[%dma_start3A_417, %dma_start3A_418, %dma_start3A_424] : memref<4x5x128xi32, #tpu.memory_space<vmem>> -> memref<1x1x128xi32, #tpu.memory_space<vmem>>
      %dma_start3A_426 = tpu.memref_squeeze %dma_start3A_425 : memref<1x1x128xi32, #tpu.memory_space<vmem>> -> memref<128xi32, #tpu.memory_space<vmem>>
      %dma_start3A_427 = arith.constant 0 : i32
      %dma_start3A_428 = arith.constant 0 : i32
      %dma_start3A_429 = tpu.memref_slice %arg7[%dma_start3A_427, %dma_start3A_428] : memref<14x32xf32, #tpu.memory_space<vmem_shared>> -> memref<14x32xf32, #tpu.memory_space<vmem_shared>>
      tpu.enqueue_indirect_dma source(%dma_start3A_429 : memref<14x32xf32, #tpu.memory_space<vmem_shared>>) target(%dma_start3A_423 : memref<128x32xf32, #tpu.memory_space<vmem>>) offsets(%dma_start3A_426 : memref<128xi32, #tpu.memory_space<vmem>>) semaphore(%arg8 : memref<!tpu.dma_semaphore, #tpu.memory_space<semaphore_mem>>)
      %dma_wait3A_430 = arith.constant 1 : i32
      %dma_wait3A_431 = arith.constant 0 : i32
      %dma_wait3A_432 = arith.constant 1 : i32
      %dma_wait3A_433 = arith.constant 0 : i32
      %dma_wait3A_434 = arith.constant 0 : i32
      %dma_wait3A_435 = tpu.memref_slice %arg6[%dma_wait3A_432, %dma_wait3A_433, %dma_wait3A_434] : memref<4x640x32xf32, #tpu.memory_space<vmem>> -> memref<1x128x32xf32, #tpu.memory_space<vmem>>
      %dma_wait3A_436 = tpu.memref_squeeze %dma_wait3A_435 : memref<1x128x32xf32, #tpu.memory_space<vmem>> -> memref<128x32xf32, #tpu.memory_space<vmem>>
      %dma_wait3A_437 = arith.constant 0 : i32
      %dma_wait3A_438 = tpu.memref_slice %arg5[%dma_wait3A_430, %dma_wait3A_431, %dma_wait3A_437] : memref<4x5x128xi32, #tpu.memory_space<vmem>> -> memref<1x1x128xi32, #tpu.memory_space<vmem>>
      %dma_wait3A_439 = tpu.memref_squeeze %dma_wait3A_438 : memref<1x1x128xi32, #tpu.memory_space<vmem>> -> memref<128xi32, #tpu.memory_space<vmem>>
      %dma_wait3A_440 = arith.constant 0 : i32
      %dma_wait3A_441 = arith.constant 0 : i32
      %dma_wait3A_442 = tpu.memref_slice %arg7[%dma_wait3A_440, %dma_wait3A_441] : memref<14x32xf32, #tpu.memory_space<vmem_shared>> -> memref<14x32xf32, #tpu.memory_space<vmem_shared>>
      tpu.wait_indirect_dma semaphore(%arg8 : memref<!tpu.dma_semaphore, #tpu.memory_space<semaphore_mem>>) src(%dma_wait3A_442 : memref<14x32xf32, #tpu.memory_space<vmem_shared>>) dst(%dma_wait3A_436 : memref<128x32xf32, #tpu.memory_space<vmem>>)
      %dma_wait3A_443 = arith.constant 1 : i32
      %dma_wait3A_444 = arith.constant 1 : i32
      %dma_wait3A_445 = arith.constant 1 : i32
      %dma_wait3A_446 = arith.constant 128 : i32
      %dma_wait3A_447 = arith.constant 0 : i32
      %dma_wait3A_448 = tpu.memref_slice %arg6[%dma_wait3A_445, %dma_wait3A_446, %dma_wait3A_447] : memref<4x640x32xf32, #tpu.memory_space<vmem>> -> memref<1x128x32xf32, #tpu.memory_space<vmem>>
      %dma_wait3A_449 = tpu.memref_squeeze %dma_wait3A_448 : memref<1x128x32xf32, #tpu.memory_space<vmem>> -> memref<128x32xf32, #tpu.memory_space<vmem>>
      %dma_wait3A_450 = arith.constant 0 : i32
      %dma_wait3A_451 = tpu.memref_slice %arg5[%dma_wait3A_443, %dma_wait3A_444, %dma_wait3A_450] : memref<4x5x128xi32, #tpu.memory_space<vmem>> -> memref<1x1x128xi32, #tpu.memory_space<vmem>>
      %dma_wait3A_452 = tpu.memref_squeeze %dma_wait3A_451 : memref<1x1x128xi32, #tpu.memory_space<vmem>> -> memref<128xi32, #tpu.memory_space<vmem>>
      %dma_wait3A_453 = arith.constant 0 : i32
      %dma_wait3A_454 = arith.constant 0 : i32
      %dma_wait3A_455 = tpu.memref_slice %arg7[%dma_wait3A_453, %dma_wait3A_454] : memref<14x32xf32, #tpu.memory_space<vmem_shared>> -> memref<14x32xf32, #tpu.memory_space<vmem_shared>>
      tpu.wait_indirect_dma semaphore(%arg8 : memref<!tpu.dma_semaphore, #tpu.memory_space<semaphore_mem>>) src(%dma_wait3A_455 : memref<14x32xf32, #tpu.memory_space<vmem_shared>>) dst(%dma_wait3A_449 : memref<128x32xf32, #tpu.memory_space<vmem>>)
      %dma_wait3A_456 = arith.constant 1 : i32
      %dma_wait3A_457 = arith.constant 2 : i32
      %dma_wait3A_458 = arith.constant 1 : i32
      %dma_wait3A_459 = arith.constant 256 : i32
      %dma_wait3A_460 = arith.constant 0 : i32
      %dma_wait3A_461 = tpu.memref_slice %arg6[%dma_wait3A_458, %dma_wait3A_459, %dma_wait3A_460] : memref<4x640x32xf32, #tpu.memory_space<vmem>> -> memref<1x128x32xf32, #tpu.memory_space<vmem>>
      %dma_wait3A_462 = tpu.memref_squeeze %dma_wait3A_461 : memref<1x128x32xf32, #tpu.memory_space<vmem>> -> memref<128x32xf32, #tpu.memory_space<vmem>>
      %dma_wait3A_463 = arith.constant 0 : i32
      %dma_wait3A_464 = tpu.memref_slice %arg5[%dma_wait3A_456, %dma_wait3A_457, %dma_wait3A_463] : memref<4x5x128xi32, #tpu.memory_space<vmem>> -> memref<1x1x128xi32, #tpu.memory_space<vmem>>
      %dma_wait3A_465 = tpu.memref_squeeze %dma_wait3A_464 : memref<1x1x128xi32, #tpu.memory_space<vmem>> -> memref<128xi32, #tpu.memory_space<vmem>>
      %dma_wait3A_466 = arith.constant 0 : i32
      %dma_wait3A_467 = arith.constant 0 : i32
      %dma_wait3A_468 = tpu.memref_slice %arg7[%dma_wait3A_466, %dma_wait3A_467] : memref<14x32xf32, #tpu.memory_space<vmem_shared>> -> memref<14x32xf32, #tpu.memory_space<vmem_shared>>
      tpu.wait_indirect_dma semaphore(%arg8 : memref<!tpu.dma_semaphore, #tpu.memory_space<semaphore_mem>>) src(%dma_wait3A_468 : memref<14x32xf32, #tpu.memory_space<vmem_shared>>) dst(%dma_wait3A_462 : memref<128x32xf32, #tpu.memory_space<vmem>>)
      %dma_wait3A_469 = arith.constant 1 : i32
      %dma_wait3A_470 = arith.constant 3 : i32
      %dma_wait3A_471 = arith.constant 1 : i32
      %dma_wait3A_472 = arith.constant 384 : i32
      %dma_wait3A_473 = arith.constant 0 : i32
      %dma_wait3A_474 = tpu.memref_slice %arg6[%dma_wait3A_471, %dma_wait3A_472, %dma_wait3A_473] : memref<4x640x32xf32, #tpu.memory_space<vmem>> -> memref<1x128x32xf32, #tpu.memory_space<vmem>>
      %dma_wait3A_475 = tpu.memref_squeeze %dma_wait3A_474 : memref<1x128x32xf32, #tpu.memory_space<vmem>> -> memref<128x32xf32, #tpu.memory_space<vmem>>
      %dma_wait3A_476 = arith.constant 0 : i32
      %dma_wait3A_477 = tpu.memref_slice %arg5[%dma_wait3A_469, %dma_wait3A_470, %dma_wait3A_476] : memref<4x5x128xi32, #tpu.memory_space<vmem>> -> memref<1x1x128xi32, #tpu.memory_space<vmem>>
      %dma_wait3A_478 = tpu.memref_squeeze %dma_wait3A_477 : memref<1x1x128xi32, #tpu.memory_space<vmem>> -> memref<128xi32, #tpu.memory_space<vmem>>
      %dma_wait3A_479 = arith.constant 0 : i32
      %dma_wait3A_480 = arith.constant 0 : i32
      %dma_wait3A_481 = tpu.memref_slice %arg7[%dma_wait3A_479, %dma_wait3A_480] : memref<14x32xf32, #tpu.memory_space<vmem_shared>> -> memref<14x32xf32, #tpu.memory_space<vmem_shared>>
      tpu.wait_indirect_dma semaphore(%arg8 : memref<!tpu.dma_semaphore, #tpu.memory_space<semaphore_mem>>) src(%dma_wait3A_481 : memref<14x32xf32, #tpu.memory_space<vmem_shared>>) dst(%dma_wait3A_475 : memref<128x32xf32, #tpu.memory_space<vmem>>)
      %dma_wait3A_482 = arith.constant 1 : i32
      %dma_wait3A_483 = arith.constant 4 : i32
      %dma_wait3A_484 = arith.constant 1 : i32
      %dma_wait3A_485 = arith.constant 512 : i32
      %dma_wait3A_486 = arith.constant 0 : i32
      %dma_wait3A_487 = tpu.memref_slice %arg6[%dma_wait3A_484, %dma_wait3A_485, %dma_wait3A_486] : memref<4x640x32xf32, #tpu.memory_space<vmem>> -> memref<1x128x32xf32, #tpu.memory_space<vmem>>
      %dma_wait3A_488 = tpu.memref_squeeze %dma_wait3A_487 : memref<1x128x32xf32, #tpu.memory_space<vmem>> -> memref<128x32xf32, #tpu.memory_space<vmem>>
      %dma_wait3A_489 = arith.constant 0 : i32
      %dma_wait3A_490 = tpu.memref_slice %arg5[%dma_wait3A_482, %dma_wait3A_483, %dma_wait3A_489] : memref<4x5x128xi32, #tpu.memory_space<vmem>> -> memref<1x1x128xi32, #tpu.memory_space<vmem>>
      %dma_wait3A_491 = tpu.memref_squeeze %dma_wait3A_490 : memref<1x1x128xi32, #tpu.memory_space<vmem>> -> memref<128xi32, #tpu.memory_space<vmem>>
      %dma_wait3A_492 = arith.constant 0 : i32
      %dma_wait3A_493 = arith.constant 0 : i32
      %dma_wait3A_494 = tpu.memref_slice %arg7[%dma_wait3A_492, %dma_wait3A_493] : memref<14x32xf32, #tpu.memory_space<vmem_shared>> -> memref<14x32xf32, #tpu.memory_space<vmem_shared>>
      tpu.wait_indirect_dma semaphore(%arg8 : memref<!tpu.dma_semaphore, #tpu.memory_space<semaphore_mem>>) src(%dma_wait3A_494 : memref<14x32xf32, #tpu.memory_space<vmem_shared>>) dst(%dma_wait3A_488 : memref<128x32xf32, #tpu.memory_space<vmem>>)
      %add3A_495 = arith.constant 1 : i32
      %add3A_496 = arith.addi %add3A_162, %add3A_495 : i32
      %add3A_497 = arith.constant 4 : i32
      %add3A_498 = arith.addi %add3A_496, %add3A_497 : i32
      %lt3A_499 = arith.constant 16 : i32
      %lt3A_500 = arith.cmpi slt, %add3A_498, %lt3A_499 : i32
      %convert_element_type3A_501 = arith.extui %lt3A_500 : i1 to i32
      %cond3A_502 = arith.constant 0 : i32
      %cond3A_503 = arith.cmpi ne, %convert_element_type3A_501, %cond3A_502 : i32
      scf.if %cond3A_503 {
        %add3A_877 = arith.constant 4 : i32
        %add3A_878 = arith.addi %add3A_342, %add3A_877 : i32
        %mul3A_879 = arith.constant 5 : i32
        %mul3A_880 = arith.muli %add3A_878, %mul3A_879 : i32
        %dma_start3A_881 = arith.constant 1 : i32
        %dma_start3A_882 = arith.constant 0 : i32
        %dma_start3A_883 = arith.constant 0 : i32
        %dma_start3A_884 = tpu.memref_slice %arg5[%dma_start3A_881, %dma_start3A_882, %dma_start3A_883] : memref<4x5x128xi32, #tpu.memory_space<vmem>> -> memref<1x5x128xi32, #tpu.memory_space<vmem>>
        %dma_start3A_885 = tpu.memref_squeeze %dma_start3A_884 : memref<1x5x128xi32, #tpu.memory_space<vmem>> -> memref<5x128xi32, #tpu.memory_space<vmem>>
        %dma_start3A_886 = arith.constant 0 : i32
        %dma_start3A_887 = tpu.memref_slice %arg3[%mul3A_880, %dma_start3A_886] : memref<2560x128xi32, #tpu.memory_space<hbm>> -> memref<5x128xi32, #tpu.memory_space<hbm>>
        %dma_start3A_888 = arith.constant 0 : i32
        %dma_start3A_889 = arith.constant 0 : i32
        %dma_start3A_890 = tpu.memref_slice %arg5[%dma_start3A_881, %dma_start3A_888, %dma_start3A_889] : memref<4x5x128xi32, #tpu.memory_space<vmem>> -> memref<1x5x128xi32, #tpu.memory_space<vmem>>
        %dma_start3A_891 = tpu.memref_squeeze %dma_start3A_890 : memref<1x5x128xi32, #tpu.memory_space<vmem>> -> memref<5x128xi32, #tpu.memory_space<vmem>>
        %dma_start3A_892 = arith.constant 0 : i32
        %dma_start3A_893 = tpu.memref_slice %arg3[%mul3A_880, %dma_start3A_892] : memref<2560x128xi32, #tpu.memory_space<hbm>> -> memref<5x128xi32, #tpu.memory_space<hbm>>
        tpu.enqueue_dma source(%dma_start3A_893 : memref<5x128xi32, #tpu.memory_space<hbm>>) target(%dma_start3A_891 : memref<5x128xi32, #tpu.memory_space<vmem>>) target_semaphore(%arg14 : memref<!tpu.dma_semaphore, #tpu.memory_space<semaphore_mem>>)
      } else {
      }
      %mul3A_504 = arith.constant 640 : i32
      %mul3A_505 = arith.muli %add3A_342, %mul3A_504 : i32
      %dma_start3A_506 = arith.constant 1 : i32
      %dma_start3A_507 = arith.constant 0 : i32
      %dma_start3A_508 = arith.constant 0 : i32
      %dma_start3A_509 = tpu.memref_slice %arg6[%dma_start3A_506, %dma_start3A_507, %dma_start3A_508] : memref<4x640x32xf32, #tpu.memory_space<vmem>> -> memref<1x640x32xf32, #tpu.memory_space<vmem>>
      %dma_start3A_510 = tpu.memref_squeeze %dma_start3A_509 : memref<1x640x32xf32, #tpu.memory_space<vmem>> -> memref<640x32xf32, #tpu.memory_space<vmem>>
      %dma_start3A_511 = arith.constant 0 : i32
      %dma_start3A_512 = tpu.memref_slice %arg4[%mul3A_505, %dma_start3A_511] : memref<327680x32xf32, #tpu.memory_space<hbm>> -> memref<640x32xf32, #tpu.memory_space<hbm>>
      %dma_start3A_513 = arith.constant 0 : i32
      %dma_start3A_514 = tpu.memref_slice %arg4[%mul3A_505, %dma_start3A_513] : memref<327680x32xf32, #tpu.memory_space<hbm>> -> memref<640x32xf32, #tpu.memory_space<hbm>>
      %dma_start3A_515 = arith.constant 0 : i32
      %dma_start3A_516 = arith.constant 0 : i32
      %dma_start3A_517 = tpu.memref_slice %arg6[%dma_start3A_506, %dma_start3A_515, %dma_start3A_516] : memref<4x640x32xf32, #tpu.memory_space<vmem>> -> memref<1x640x32xf32, #tpu.memory_space<vmem>>
      %dma_start3A_518 = tpu.memref_squeeze %dma_start3A_517 : memref<1x640x32xf32, #tpu.memory_space<vmem>> -> memref<640x32xf32, #tpu.memory_space<vmem>>
      tpu.enqueue_dma source(%dma_start3A_518 : memref<640x32xf32, #tpu.memory_space<vmem>>) target(%dma_start3A_514 : memref<640x32xf32, #tpu.memory_space<hbm>>) target_semaphore(%arg10 : memref<!tpu.dma_semaphore, #tpu.memory_space<semaphore_mem>>)
      %add3A_519 = arith.addi %mul3A_2, %add3A_162 : i32
      %add3A_520 = arith.constant 2 : i32
      %add3A_521 = arith.addi %add3A_519, %add3A_520 : i32
      %add3A_522 = arith.constant 2 : i32
      %add3A_523 = arith.addi %add3A_162, %add3A_522 : i32
      %ge3A_524 = arith.constant 4 : i32
      %ge3A_525 = arith.cmpi sge, %add3A_523, %ge3A_524 : i32
      %convert_element_type3A_526 = arith.extui %ge3A_525 : i1 to i32
      %cond3A_527 = arith.constant 0 : i32
      %cond3A_528 = arith.cmpi ne, %convert_element_type3A_526, %cond3A_527 : i32
      scf.if %cond3A_528 {
        %mul3A_877 = arith.constant 640 : i32
        %mul3A_878 = arith.muli %add3A_521, %mul3A_877 : i32
        %dma_wait3A_879 = arith.constant 2 : i32
        %dma_wait3A_880 = arith.constant 0 : i32
        %dma_wait3A_881 = arith.constant 0 : i32
        %dma_wait3A_882 = tpu.memref_slice %arg6[%dma_wait3A_879, %dma_wait3A_880, %dma_wait3A_881] : memref<4x640x32xf32, #tpu.memory_space<vmem>> -> memref<1x640x32xf32, #tpu.memory_space<vmem>>
        %dma_wait3A_883 = tpu.memref_squeeze %dma_wait3A_882 : memref<1x640x32xf32, #tpu.memory_space<vmem>> -> memref<640x32xf32, #tpu.memory_space<vmem>>
        %dma_wait3A_884 = arith.constant 0 : i32
        %dma_wait3A_885 = tpu.memref_slice %arg4[%mul3A_878, %dma_wait3A_884] : memref<327680x32xf32, #tpu.memory_space<hbm>> -> memref<640x32xf32, #tpu.memory_space<hbm>>
        %dma_wait3A_886 = arith.constant 0 : i32
        %dma_wait3A_887 = tpu.memref_slice %arg4[%mul3A_878, %dma_wait3A_886] : memref<327680x32xf32, #tpu.memory_space<hbm>> -> memref<640x32xf32, #tpu.memory_space<hbm>>
        %dma_wait3A_888 = arith.constant 0 : i32
        %dma_wait3A_889 = arith.constant 0 : i32
        %dma_wait3A_890 = tpu.memref_slice %arg6[%dma_wait3A_879, %dma_wait3A_888, %dma_wait3A_889] : memref<4x640x32xf32, #tpu.memory_space<vmem>> -> memref<1x640x32xf32, #tpu.memory_space<vmem>>
        %dma_wait3A_891 = tpu.memref_squeeze %dma_wait3A_890 : memref<1x640x32xf32, #tpu.memory_space<vmem>> -> memref<640x32xf32, #tpu.memory_space<vmem>>
        tpu.wait_dma2 semaphore(%arg11 : memref<!tpu.dma_semaphore, #tpu.memory_space<semaphore_mem>>) src(%dma_wait3A_891 : memref<640x32xf32, #tpu.memory_space<vmem>>) dst(%dma_wait3A_887 : memref<640x32xf32, #tpu.memory_space<hbm>>)
      } else {
      }
      %mul3A_529 = arith.constant 5 : i32
      %mul3A_530 = arith.muli %add3A_521, %mul3A_529 : i32
      %dma_wait3A_531 = arith.constant 2 : i32
      %dma_wait3A_532 = arith.constant 0 : i32
      %dma_wait3A_533 = arith.constant 0 : i32
      %dma_wait3A_534 = tpu.memref_slice %arg5[%dma_wait3A_531, %dma_wait3A_532, %dma_wait3A_533] : memref<4x5x128xi32, #tpu.memory_space<vmem>> -> memref<1x5x128xi32, #tpu.memory_space<vmem>>
      %dma_wait3A_535 = tpu.memref_squeeze %dma_wait3A_534 : memref<1x5x128xi32, #tpu.memory_space<vmem>> -> memref<5x128xi32, #tpu.memory_space<vmem>>
      %dma_wait3A_536 = arith.constant 0 : i32
      %dma_wait3A_537 = tpu.memref_slice %arg3[%mul3A_530, %dma_wait3A_536] : memref<2560x128xi32, #tpu.memory_space<hbm>> -> memref<5x128xi32, #tpu.memory_space<hbm>>
      %dma_wait3A_538 = arith.constant 0 : i32
      %dma_wait3A_539 = arith.constant 0 : i32
      %dma_wait3A_540 = tpu.memref_slice %arg5[%dma_wait3A_531, %dma_wait3A_538, %dma_wait3A_539] : memref<4x5x128xi32, #tpu.memory_space<vmem>> -> memref<1x5x128xi32, #tpu.memory_space<vmem>>
      %dma_wait3A_541 = tpu.memref_squeeze %dma_wait3A_540 : memref<1x5x128xi32, #tpu.memory_space<vmem>> -> memref<5x128xi32, #tpu.memory_space<vmem>>
      %dma_wait3A_542 = arith.constant 0 : i32
      %dma_wait3A_543 = tpu.memref_slice %arg3[%mul3A_530, %dma_wait3A_542] : memref<2560x128xi32, #tpu.memory_space<hbm>> -> memref<5x128xi32, #tpu.memory_space<hbm>>
      tpu.wait_dma2 semaphore(%arg15 : memref<!tpu.dma_semaphore, #tpu.memory_space<semaphore_mem>>) src(%dma_wait3A_543 : memref<5x128xi32, #tpu.memory_space<hbm>>) dst(%dma_wait3A_541 : memref<5x128xi32, #tpu.memory_space<vmem>>)
      %dma_start3A_544 = arith.constant 2 : i32
      %dma_start3A_545 = arith.constant 0 : i32
      %dma_start3A_546 = arith.constant 2 : i32
      %dma_start3A_547 = arith.constant 0 : i32
      %dma_start3A_548 = arith.constant 0 : i32
      %dma_start3A_549 = tpu.memref_slice %arg6[%dma_start3A_546, %dma_start3A_547, %dma_start3A_548] : memref<4x640x32xf32, #tpu.memory_space<vmem>> -> memref<1x128x32xf32, #tpu.memory_space<vmem>>
      %dma_start3A_550 = tpu.memref_squeeze %dma_start3A_549 : memref<1x128x32xf32, #tpu.memory_space<vmem>> -> memref<128x32xf32, #tpu.memory_space<vmem>>
      %dma_start3A_551 = arith.constant 0 : i32
      %dma_start3A_552 = tpu.memref_slice %arg5[%dma_start3A_544, %dma_start3A_545, %dma_start3A_551] : memref<4x5x128xi32, #tpu.memory_space<vmem>> -> memref<1x1x128xi32, #tpu.memory_space<vmem>>
      %dma_start3A_553 = tpu.memref_squeeze %dma_start3A_552 : memref<1x1x128xi32, #tpu.memory_space<vmem>> -> memref<128xi32, #tpu.memory_space<vmem>>
      %dma_start3A_554 = arith.constant 0 : i32
      %dma_start3A_555 = arith.constant 0 : i32
      %dma_start3A_556 = tpu.memref_slice %arg7[%dma_start3A_554, %dma_start3A_555] : memref<14x32xf32, #tpu.memory_space<vmem_shared>> -> memref<14x32xf32, #tpu.memory_space<vmem_shared>>
      tpu.enqueue_indirect_dma source(%dma_start3A_556 : memref<14x32xf32, #tpu.memory_space<vmem_shared>>) target(%dma_start3A_550 : memref<128x32xf32, #tpu.memory_space<vmem>>) offsets(%dma_start3A_553 : memref<128xi32, #tpu.memory_space<vmem>>) semaphore(%arg8 : memref<!tpu.dma_semaphore, #tpu.memory_space<semaphore_mem>>)
      %dma_start3A_557 = arith.constant 2 : i32
      %dma_start3A_558 = arith.constant 1 : i32
      %dma_start3A_559 = arith.constant 2 : i32
      %dma_start3A_560 = arith.constant 128 : i32
      %dma_start3A_561 = arith.constant 0 : i32
      %dma_start3A_562 = tpu.memref_slice %arg6[%dma_start3A_559, %dma_start3A_560, %dma_start3A_561] : memref<4x640x32xf32, #tpu.memory_space<vmem>> -> memref<1x128x32xf32, #tpu.memory_space<vmem>>
      %dma_start3A_563 = tpu.memref_squeeze %dma_start3A_562 : memref<1x128x32xf32, #tpu.memory_space<vmem>> -> memref<128x32xf32, #tpu.memory_space<vmem>>
      %dma_start3A_564 = arith.constant 0 : i32
      %dma_start3A_565 = tpu.memref_slice %arg5[%dma_start3A_557, %dma_start3A_558, %dma_start3A_564] : memref<4x5x128xi32, #tpu.memory_space<vmem>> -> memref<1x1x128xi32, #tpu.memory_space<vmem>>
      %dma_start3A_566 = tpu.memref_squeeze %dma_start3A_565 : memref<1x1x128xi32, #tpu.memory_space<vmem>> -> memref<128xi32, #tpu.memory_space<vmem>>
      %dma_start3A_567 = arith.constant 0 : i32
      %dma_start3A_568 = arith.constant 0 : i32
      %dma_start3A_569 = tpu.memref_slice %arg7[%dma_start3A_567, %dma_start3A_568] : memref<14x32xf32, #tpu.memory_space<vmem_shared>> -> memref<14x32xf32, #tpu.memory_space<vmem_shared>>
      tpu.enqueue_indirect_dma source(%dma_start3A_569 : memref<14x32xf32, #tpu.memory_space<vmem_shared>>) target(%dma_start3A_563 : memref<128x32xf32, #tpu.memory_space<vmem>>) offsets(%dma_start3A_566 : memref<128xi32, #tpu.memory_space<vmem>>) semaphore(%arg8 : memref<!tpu.dma_semaphore, #tpu.memory_space<semaphore_mem>>)
      %dma_start3A_570 = arith.constant 2 : i32
      %dma_start3A_571 = arith.constant 2 : i32
      %dma_start3A_572 = arith.constant 2 : i32
      %dma_start3A_573 = arith.constant 256 : i32
      %dma_start3A_574 = arith.constant 0 : i32
      %dma_start3A_575 = tpu.memref_slice %arg6[%dma_start3A_572, %dma_start3A_573, %dma_start3A_574] : memref<4x640x32xf32, #tpu.memory_space<vmem>> -> memref<1x128x32xf32, #tpu.memory_space<vmem>>
      %dma_start3A_576 = tpu.memref_squeeze %dma_start3A_575 : memref<1x128x32xf32, #tpu.memory_space<vmem>> -> memref<128x32xf32, #tpu.memory_space<vmem>>
      %dma_start3A_577 = arith.constant 0 : i32
      %dma_start3A_578 = tpu.memref_slice %arg5[%dma_start3A_570, %dma_start3A_571, %dma_start3A_577] : memref<4x5x128xi32, #tpu.memory_space<vmem>> -> memref<1x1x128xi32, #tpu.memory_space<vmem>>
      %dma_start3A_579 = tpu.memref_squeeze %dma_start3A_578 : memref<1x1x128xi32, #tpu.memory_space<vmem>> -> memref<128xi32, #tpu.memory_space<vmem>>
      %dma_start3A_580 = arith.constant 0 : i32
      %dma_start3A_581 = arith.constant 0 : i32
      %dma_start3A_582 = tpu.memref_slice %arg7[%dma_start3A_580, %dma_start3A_581] : memref<14x32xf32, #tpu.memory_space<vmem_shared>> -> memref<14x32xf32, #tpu.memory_space<vmem_shared>>
      tpu.enqueue_indirect_dma source(%dma_start3A_582 : memref<14x32xf32, #tpu.memory_space<vmem_shared>>) target(%dma_start3A_576 : memref<128x32xf32, #tpu.memory_space<vmem>>) offsets(%dma_start3A_579 : memref<128xi32, #tpu.memory_space<vmem>>) semaphore(%arg8 : memref<!tpu.dma_semaphore, #tpu.memory_space<semaphore_mem>>)
      %dma_start3A_583 = arith.constant 2 : i32
      %dma_start3A_584 = arith.constant 3 : i32
      %dma_start3A_585 = arith.constant 2 : i32
      %dma_start3A_586 = arith.constant 384 : i32
      %dma_start3A_587 = arith.constant 0 : i32
      %dma_start3A_588 = tpu.memref_slice %arg6[%dma_start3A_585, %dma_start3A_586, %dma_start3A_587] : memref<4x640x32xf32, #tpu.memory_space<vmem>> -> memref<1x128x32xf32, #tpu.memory_space<vmem>>
      %dma_start3A_589 = tpu.memref_squeeze %dma_start3A_588 : memref<1x128x32xf32, #tpu.memory_space<vmem>> -> memref<128x32xf32, #tpu.memory_space<vmem>>
      %dma_start3A_590 = arith.constant 0 : i32
      %dma_start3A_591 = tpu.memref_slice %arg5[%dma_start3A_583, %dma_start3A_584, %dma_start3A_590] : memref<4x5x128xi32, #tpu.memory_space<vmem>> -> memref<1x1x128xi32, #tpu.memory_space<vmem>>
      %dma_start3A_592 = tpu.memref_squeeze %dma_start3A_591 : memref<1x1x128xi32, #tpu.memory_space<vmem>> -> memref<128xi32, #tpu.memory_space<vmem>>
      %dma_start3A_593 = arith.constant 0 : i32
      %dma_start3A_594 = arith.constant 0 : i32
      %dma_start3A_595 = tpu.memref_slice %arg7[%dma_start3A_593, %dma_start3A_594] : memref<14x32xf32, #tpu.memory_space<vmem_shared>> -> memref<14x32xf32, #tpu.memory_space<vmem_shared>>
      tpu.enqueue_indirect_dma source(%dma_start3A_595 : memref<14x32xf32, #tpu.memory_space<vmem_shared>>) target(%dma_start3A_589 : memref<128x32xf32, #tpu.memory_space<vmem>>) offsets(%dma_start3A_592 : memref<128xi32, #tpu.memory_space<vmem>>) semaphore(%arg8 : memref<!tpu.dma_semaphore, #tpu.memory_space<semaphore_mem>>)
      %dma_start3A_596 = arith.constant 2 : i32
      %dma_start3A_597 = arith.constant 4 : i32
      %dma_start3A_598 = arith.constant 2 : i32
      %dma_start3A_599 = arith.constant 512 : i32
      %dma_start3A_600 = arith.constant 0 : i32
      %dma_start3A_601 = tpu.memref_slice %arg6[%dma_start3A_598, %dma_start3A_599, %dma_start3A_600] : memref<4x640x32xf32, #tpu.memory_space<vmem>> -> memref<1x128x32xf32, #tpu.memory_space<vmem>>
      %dma_start3A_602 = tpu.memref_squeeze %dma_start3A_601 : memref<1x128x32xf32, #tpu.memory_space<vmem>> -> memref<128x32xf32, #tpu.memory_space<vmem>>
      %dma_start3A_603 = arith.constant 0 : i32
      %dma_start3A_604 = tpu.memref_slice %arg5[%dma_start3A_596, %dma_start3A_597, %dma_start3A_603] : memref<4x5x128xi32, #tpu.memory_space<vmem>> -> memref<1x1x128xi32, #tpu.memory_space<vmem>>
      %dma_start3A_605 = tpu.memref_squeeze %dma_start3A_604 : memref<1x1x128xi32, #tpu.memory_space<vmem>> -> memref<128xi32, #tpu.memory_space<vmem>>
      %dma_start3A_606 = arith.constant 0 : i32
      %dma_start3A_607 = arith.constant 0 : i32
      %dma_start3A_608 = tpu.memref_slice %arg7[%dma_start3A_606, %dma_start3A_607] : memref<14x32xf32, #tpu.memory_space<vmem_shared>> -> memref<14x32xf32, #tpu.memory_space<vmem_shared>>
      tpu.enqueue_indirect_dma source(%dma_start3A_608 : memref<14x32xf32, #tpu.memory_space<vmem_shared>>) target(%dma_start3A_602 : memref<128x32xf32, #tpu.memory_space<vmem>>) offsets(%dma_start3A_605 : memref<128xi32, #tpu.memory_space<vmem>>) semaphore(%arg8 : memref<!tpu.dma_semaphore, #tpu.memory_space<semaphore_mem>>)
      %dma_wait3A_609 = arith.constant 2 : i32
      %dma_wait3A_610 = arith.constant 0 : i32
      %dma_wait3A_611 = arith.constant 2 : i32
      %dma_wait3A_612 = arith.constant 0 : i32
      %dma_wait3A_613 = arith.constant 0 : i32
      %dma_wait3A_614 = tpu.memref_slice %arg6[%dma_wait3A_611, %dma_wait3A_612, %dma_wait3A_613] : memref<4x640x32xf32, #tpu.memory_space<vmem>> -> memref<1x128x32xf32, #tpu.memory_space<vmem>>
      %dma_wait3A_615 = tpu.memref_squeeze %dma_wait3A_614 : memref<1x128x32xf32, #tpu.memory_space<vmem>> -> memref<128x32xf32, #tpu.memory_space<vmem>>
      %dma_wait3A_616 = arith.constant 0 : i32
      %dma_wait3A_617 = tpu.memref_slice %arg5[%dma_wait3A_609, %dma_wait3A_610, %dma_wait3A_616] : memref<4x5x128xi32, #tpu.memory_space<vmem>> -> memref<1x1x128xi32, #tpu.memory_space<vmem>>
      %dma_wait3A_618 = tpu.memref_squeeze %dma_wait3A_617 : memref<1x1x128xi32, #tpu.memory_space<vmem>> -> memref<128xi32, #tpu.memory_space<vmem>>
      %dma_wait3A_619 = arith.constant 0 : i32
      %dma_wait3A_620 = arith.constant 0 : i32
      %dma_wait3A_621 = tpu.memref_slice %arg7[%dma_wait3A_619, %dma_wait3A_620] : memref<14x32xf32, #tpu.memory_space<vmem_shared>> -> memref<14x32xf32, #tpu.memory_space<vmem_shared>>
      tpu.wait_indirect_dma semaphore(%arg8 : memref<!tpu.dma_semaphore, #tpu.memory_space<semaphore_mem>>) src(%dma_wait3A_621 : memref<14x32xf32, #tpu.memory_space<vmem_shared>>) dst(%dma_wait3A_615 : memref<128x32xf32, #tpu.memory_space<vmem>>)
      %dma_wait3A_622 = arith.constant 2 : i32
      %dma_wait3A_623 = arith.constant 1 : i32
      %dma_wait3A_624 = arith.constant 2 : i32
      %dma_wait3A_625 = arith.constant 128 : i32
      %dma_wait3A_626 = arith.constant 0 : i32
      %dma_wait3A_627 = tpu.memref_slice %arg6[%dma_wait3A_624, %dma_wait3A_625, %dma_wait3A_626] : memref<4x640x32xf32, #tpu.memory_space<vmem>> -> memref<1x128x32xf32, #tpu.memory_space<vmem>>
      %dma_wait3A_628 = tpu.memref_squeeze %dma_wait3A_627 : memref<1x128x32xf32, #tpu.memory_space<vmem>> -> memref<128x32xf32, #tpu.memory_space<vmem>>
      %dma_wait3A_629 = arith.constant 0 : i32
      %dma_wait3A_630 = tpu.memref_slice %arg5[%dma_wait3A_622, %dma_wait3A_623, %dma_wait3A_629] : memref<4x5x128xi32, #tpu.memory_space<vmem>> -> memref<1x1x128xi32, #tpu.memory_space<vmem>>
      %dma_wait3A_631 = tpu.memref_squeeze %dma_wait3A_630 : memref<1x1x128xi32, #tpu.memory_space<vmem>> -> memref<128xi32, #tpu.memory_space<vmem>>
      %dma_wait3A_632 = arith.constant 0 : i32
      %dma_wait3A_633 = arith.constant 0 : i32
      %dma_wait3A_634 = tpu.memref_slice %arg7[%dma_wait3A_632, %dma_wait3A_633] : memref<14x32xf32, #tpu.memory_space<vmem_shared>> -> memref<14x32xf32, #tpu.memory_space<vmem_shared>>
      tpu.wait_indirect_dma semaphore(%arg8 : memref<!tpu.dma_semaphore, #tpu.memory_space<semaphore_mem>>) src(%dma_wait3A_634 : memref<14x32xf32, #tpu.memory_space<vmem_shared>>) dst(%dma_wait3A_628 : memref<128x32xf32, #tpu.memory_space<vmem>>)
      %dma_wait3A_635 = arith.constant 2 : i32
      %dma_wait3A_636 = arith.constant 2 : i32
      %dma_wait3A_637 = arith.constant 2 : i32
      %dma_wait3A_638 = arith.constant 256 : i32
      %dma_wait3A_639 = arith.constant 0 : i32
      %dma_wait3A_640 = tpu.memref_slice %arg6[%dma_wait3A_637, %dma_wait3A_638, %dma_wait3A_639] : memref<4x640x32xf32, #tpu.memory_space<vmem>> -> memref<1x128x32xf32, #tpu.memory_space<vmem>>
      %dma_wait3A_641 = tpu.memref_squeeze %dma_wait3A_640 : memref<1x128x32xf32, #tpu.memory_space<vmem>> -> memref<128x32xf32, #tpu.memory_space<vmem>>
      %dma_wait3A_642 = arith.constant 0 : i32
      %dma_wait3A_643 = tpu.memref_slice %arg5[%dma_wait3A_635, %dma_wait3A_636, %dma_wait3A_642] : memref<4x5x128xi32, #tpu.memory_space<vmem>> -> memref<1x1x128xi32, #tpu.memory_space<vmem>>
      %dma_wait3A_644 = tpu.memref_squeeze %dma_wait3A_643 : memref<1x1x128xi32, #tpu.memory_space<vmem>> -> memref<128xi32, #tpu.memory_space<vmem>>
      %dma_wait3A_645 = arith.constant 0 : i32
      %dma_wait3A_646 = arith.constant 0 : i32
      %dma_wait3A_647 = tpu.memref_slice %arg7[%dma_wait3A_645, %dma_wait3A_646] : memref<14x32xf32, #tpu.memory_space<vmem_shared>> -> memref<14x32xf32, #tpu.memory_space<vmem_shared>>
      tpu.wait_indirect_dma semaphore(%arg8 : memref<!tpu.dma_semaphore, #tpu.memory_space<semaphore_mem>>) src(%dma_wait3A_647 : memref<14x32xf32, #tpu.memory_space<vmem_shared>>) dst(%dma_wait3A_641 : memref<128x32xf32, #tpu.memory_space<vmem>>)
      %dma_wait3A_648 = arith.constant 2 : i32
      %dma_wait3A_649 = arith.constant 3 : i32
      %dma_wait3A_650 = arith.constant 2 : i32
      %dma_wait3A_651 = arith.constant 384 : i32
      %dma_wait3A_652 = arith.constant 0 : i32
      %dma_wait3A_653 = tpu.memref_slice %arg6[%dma_wait3A_650, %dma_wait3A_651, %dma_wait3A_652] : memref<4x640x32xf32, #tpu.memory_space<vmem>> -> memref<1x128x32xf32, #tpu.memory_space<vmem>>
      %dma_wait3A_654 = tpu.memref_squeeze %dma_wait3A_653 : memref<1x128x32xf32, #tpu.memory_space<vmem>> -> memref<128x32xf32, #tpu.memory_space<vmem>>
      %dma_wait3A_655 = arith.constant 0 : i32
      %dma_wait3A_656 = tpu.memref_slice %arg5[%dma_wait3A_648, %dma_wait3A_649, %dma_wait3A_655] : memref<4x5x128xi32, #tpu.memory_space<vmem>> -> memref<1x1x128xi32, #tpu.memory_space<vmem>>
      %dma_wait3A_657 = tpu.memref_squeeze %dma_wait3A_656 : memref<1x1x128xi32, #tpu.memory_space<vmem>> -> memref<128xi32, #tpu.memory_space<vmem>>
      %dma_wait3A_658 = arith.constant 0 : i32
      %dma_wait3A_659 = arith.constant 0 : i32
      %dma_wait3A_660 = tpu.memref_slice %arg7[%dma_wait3A_658, %dma_wait3A_659] : memref<14x32xf32, #tpu.memory_space<vmem_shared>> -> memref<14x32xf32, #tpu.memory_space<vmem_shared>>
      tpu.wait_indirect_dma semaphore(%arg8 : memref<!tpu.dma_semaphore, #tpu.memory_space<semaphore_mem>>) src(%dma_wait3A_660 : memref<14x32xf32, #tpu.memory_space<vmem_shared>>) dst(%dma_wait3A_654 : memref<128x32xf32, #tpu.memory_space<vmem>>)
      %dma_wait3A_661 = arith.constant 2 : i32
      %dma_wait3A_662 = arith.constant 4 : i32
      %dma_wait3A_663 = arith.constant 2 : i32
      %dma_wait3A_664 = arith.constant 512 : i32
      %dma_wait3A_665 = arith.constant 0 : i32
      %dma_wait3A_666 = tpu.memref_slice %arg6[%dma_wait3A_663, %dma_wait3A_664, %dma_wait3A_665] : memref<4x640x32xf32, #tpu.memory_space<vmem>> -> memref<1x128x32xf32, #tpu.memory_space<vmem>>
      %dma_wait3A_667 = tpu.memref_squeeze %dma_wait3A_666 : memref<1x128x32xf32, #tpu.memory_space<vmem>> -> memref<128x32xf32, #tpu.memory_space<vmem>>
      %dma_wait3A_668 = arith.constant 0 : i32
      %dma_wait3A_669 = tpu.memref_slice %arg5[%dma_wait3A_661, %dma_wait3A_662, %dma_wait3A_668] : memref<4x5x128xi32, #tpu.memory_space<vmem>> -> memref<1x1x128xi32, #tpu.memory_space<vmem>>
      %dma_wait3A_670 = tpu.memref_squeeze %dma_wait3A_669 : memref<1x1x128xi32, #tpu.memory_space<vmem>> -> memref<128xi32, #tpu.memory_space<vmem>>
      %dma_wait3A_671 = arith.constant 0 : i32
      %dma_wait3A_672 = arith.constant 0 : i32
      %dma_wait3A_673 = tpu.memref_slice %arg7[%dma_wait3A_671, %dma_wait3A_672] : memref<14x32xf32, #tpu.memory_space<vmem_shared>> -> memref<14x32xf32, #tpu.memory_space<vmem_shared>>
      tpu.wait_indirect_dma semaphore(%arg8 : memref<!tpu.dma_semaphore, #tpu.memory_space<semaphore_mem>>) src(%dma_wait3A_673 : memref<14x32xf32, #tpu.memory_space<vmem_shared>>) dst(%dma_wait3A_667 : memref<128x32xf32, #tpu.memory_space<vmem>>)
      %add3A_674 = arith.constant 2 : i32
      %add3A_675 = arith.addi %add3A_162, %add3A_674 : i32
      %add3A_676 = arith.constant 4 : i32
      %add3A_677 = arith.addi %add3A_675, %add3A_676 : i32
      %lt3A_678 = arith.constant 16 : i32
      %lt3A_679 = arith.cmpi slt, %add3A_677, %lt3A_678 : i32
      %convert_element_type3A_680 = arith.extui %lt3A_679 : i1 to i32
      %cond3A_681 = arith.constant 0 : i32
      %cond3A_682 = arith.cmpi ne, %convert_element_type3A_680, %cond3A_681 : i32
      scf.if %cond3A_682 {
        %add3A_877 = arith.constant 4 : i32
        %add3A_878 = arith.addi %add3A_521, %add3A_877 : i32
        %mul3A_879 = arith.constant 5 : i32
        %mul3A_880 = arith.muli %add3A_878, %mul3A_879 : i32
        %dma_start3A_881 = arith.constant 2 : i32
        %dma_start3A_882 = arith.constant 0 : i32
        %dma_start3A_883 = arith.constant 0 : i32
        %dma_start3A_884 = tpu.memref_slice %arg5[%dma_start3A_881, %dma_start3A_882, %dma_start3A_883] : memref<4x5x128xi32, #tpu.memory_space<vmem>> -> memref<1x5x128xi32, #tpu.memory_space<vmem>>
        %dma_start3A_885 = tpu.memref_squeeze %dma_start3A_884 : memref<1x5x128xi32, #tpu.memory_space<vmem>> -> memref<5x128xi32, #tpu.memory_space<vmem>>
        %dma_start3A_886 = arith.constant 0 : i32
        %dma_start3A_887 = tpu.memref_slice %arg3[%mul3A_880, %dma_start3A_886] : memref<2560x128xi32, #tpu.memory_space<hbm>> -> memref<5x128xi32, #tpu.memory_space<hbm>>
        %dma_start3A_888 = arith.constant 0 : i32
        %dma_start3A_889 = arith.constant 0 : i32
        %dma_start3A_890 = tpu.memref_slice %arg5[%dma_start3A_881, %dma_start3A_888, %dma_start3A_889] : memref<4x5x128xi32, #tpu.memory_space<vmem>> -> memref<1x5x128xi32, #tpu.memory_space<vmem>>
        %dma_start3A_891 = tpu.memref_squeeze %dma_start3A_890 : memref<1x5x128xi32, #tpu.memory_space<vmem>> -> memref<5x128xi32, #tpu.memory_space<vmem>>
        %dma_start3A_892 = arith.constant 0 : i32
        %dma_start3A_893 = tpu.memref_slice %arg3[%mul3A_880, %dma_start3A_892] : memref<2560x128xi32, #tpu.memory_space<hbm>> -> memref<5x128xi32, #tpu.memory_space<hbm>>
        tpu.enqueue_dma source(%dma_start3A_893 : memref<5x128xi32, #tpu.memory_space<hbm>>) target(%dma_start3A_891 : memref<5x128xi32, #tpu.memory_space<vmem>>) target_semaphore(%arg15 : memref<!tpu.dma_semaphore, #tpu.memory_space<semaphore_mem>>)
      } else {
      }
      %mul3A_683 = arith.constant 640 : i32
      %mul3A_684 = arith.muli %add3A_521, %mul3A_683 : i32
      %dma_start3A_685 = arith.constant 2 : i32
      %dma_start3A_686 = arith.constant 0 : i32
      %dma_start3A_687 = arith.constant 0 : i32
      %dma_start3A_688 = tpu.memref_slice %arg6[%dma_start3A_685, %dma_start3A_686, %dma_start3A_687] : memref<4x640x32xf32, #tpu.memory_space<vmem>> -> memref<1x640x32xf32, #tpu.memory_space<vmem>>
      %dma_start3A_689 = tpu.memref_squeeze %dma_start3A_688 : memref<1x640x32xf32, #tpu.memory_space<vmem>> -> memref<640x32xf32, #tpu.memory_space<vmem>>
      %dma_start3A_690 = arith.constant 0 : i32
      %dma_start3A_691 = tpu.memref_slice %arg4[%mul3A_684, %dma_start3A_690] : memref<327680x32xf32, #tpu.memory_space<hbm>> -> memref<640x32xf32, #tpu.memory_space<hbm>>
      %dma_start3A_692 = arith.constant 0 : i32
      %dma_start3A_693 = tpu.memref_slice %arg4[%mul3A_684, %dma_start3A_692] : memref<327680x32xf32, #tpu.memory_space<hbm>> -> memref<640x32xf32, #tpu.memory_space<hbm>>
      %dma_start3A_694 = arith.constant 0 : i32
      %dma_start3A_695 = arith.constant 0 : i32
      %dma_start3A_696 = tpu.memref_slice %arg6[%dma_start3A_685, %dma_start3A_694, %dma_start3A_695] : memref<4x640x32xf32, #tpu.memory_space<vmem>> -> memref<1x640x32xf32, #tpu.memory_space<vmem>>
      %dma_start3A_697 = tpu.memref_squeeze %dma_start3A_696 : memref<1x640x32xf32, #tpu.memory_space<vmem>> -> memref<640x32xf32, #tpu.memory_space<vmem>>
      tpu.enqueue_dma source(%dma_start3A_697 : memref<640x32xf32, #tpu.memory_space<vmem>>) target(%dma_start3A_693 : memref<640x32xf32, #tpu.memory_space<hbm>>) target_semaphore(%arg11 : memref<!tpu.dma_semaphore, #tpu.memory_space<semaphore_mem>>)
      %add3A_698 = arith.addi %mul3A_2, %add3A_162 : i32
      %add3A_699 = arith.constant 3 : i32
      %add3A_700 = arith.addi %add3A_698, %add3A_699 : i32
      %add3A_701 = arith.constant 3 : i32
      %add3A_702 = arith.addi %add3A_162, %add3A_701 : i32
      %ge3A_703 = arith.constant 4 : i32
      %ge3A_704 = arith.cmpi sge, %add3A_702, %ge3A_703 : i32
      %convert_element_type3A_705 = arith.extui %ge3A_704 : i1 to i32
      %cond3A_706 = arith.constant 0 : i32
      %cond3A_707 = arith.cmpi ne, %convert_element_type3A_705, %cond3A_706 : i32
      scf.if %cond3A_707 {
        %mul3A_877 = arith.constant 640 : i32
        %mul3A_878 = arith.muli %add3A_700, %mul3A_877 : i32
        %dma_wait3A_879 = arith.constant 3 : i32
        %dma_wait3A_880 = arith.constant 0 : i32
        %dma_wait3A_881 = arith.constant 0 : i32
        %dma_wait3A_882 = tpu.memref_slice %arg6[%dma_wait3A_879, %dma_wait3A_880, %dma_wait3A_881] : memref<4x640x32xf32, #tpu.memory_space<vmem>> -> memref<1x640x32xf32, #tpu.memory_space<vmem>>
        %dma_wait3A_883 = tpu.memref_squeeze %dma_wait3A_882 : memref<1x640x32xf32, #tpu.memory_space<vmem>> -> memref<640x32xf32, #tpu.memory_space<vmem>>
        %dma_wait3A_884 = arith.constant 0 : i32
        %dma_wait3A_885 = tpu.memref_slice %arg4[%mul3A_878, %dma_wait3A_884] : memref<327680x32xf32, #tpu.memory_space<hbm>> -> memref<640x32xf32, #tpu.memory_space<hbm>>
        %dma_wait3A_886 = arith.constant 0 : i32
        %dma_wait3A_887 = tpu.memref_slice %arg4[%mul3A_878, %dma_wait3A_886] : memref<327680x32xf32, #tpu.memory_space<hbm>> -> memref<640x32xf32, #tpu.memory_space<hbm>>
        %dma_wait3A_888 = arith.constant 0 : i32
        %dma_wait3A_889 = arith.constant 0 : i32
        %dma_wait3A_890 = tpu.memref_slice %arg6[%dma_wait3A_879, %dma_wait3A_888, %dma_wait3A_889] : memref<4x640x32xf32, #tpu.memory_space<vmem>> -> memref<1x640x32xf32, #tpu.memory_space<vmem>>
        %dma_wait3A_891 = tpu.memref_squeeze %dma_wait3A_890 : memref<1x640x32xf32, #tpu.memory_space<vmem>> -> memref<640x32xf32, #tpu.memory_space<vmem>>
        tpu.wait_dma2 semaphore(%arg12 : memref<!tpu.dma_semaphore, #tpu.memory_space<semaphore_mem>>) src(%dma_wait3A_891 : memref<640x32xf32, #tpu.memory_space<vmem>>) dst(%dma_wait3A_887 : memref<640x32xf32, #tpu.memory_space<hbm>>)
      } else {
      }
      %mul3A_708 = arith.constant 5 : i32
      %mul3A_709 = arith.muli %add3A_700, %mul3A_708 : i32
      %dma_wait3A_710 = arith.constant 3 : i32
      %dma_wait3A_711 = arith.constant 0 : i32
      %dma_wait3A_712 = arith.constant 0 : i32
      %dma_wait3A_713 = tpu.memref_slice %arg5[%dma_wait3A_710, %dma_wait3A_711, %dma_wait3A_712] : memref<4x5x128xi32, #tpu.memory_space<vmem>> -> memref<1x5x128xi32, #tpu.memory_space<vmem>>
      %dma_wait3A_714 = tpu.memref_squeeze %dma_wait3A_713 : memref<1x5x128xi32, #tpu.memory_space<vmem>> -> memref<5x128xi32, #tpu.memory_space<vmem>>
      %dma_wait3A_715 = arith.constant 0 : i32
      %dma_wait3A_716 = tpu.memref_slice %arg3[%mul3A_709, %dma_wait3A_715] : memref<2560x128xi32, #tpu.memory_space<hbm>> -> memref<5x128xi32, #tpu.memory_space<hbm>>
      %dma_wait3A_717 = arith.constant 0 : i32
      %dma_wait3A_718 = arith.constant 0 : i32
      %dma_wait3A_719 = tpu.memref_slice %arg5[%dma_wait3A_710, %dma_wait3A_717, %dma_wait3A_718] : memref<4x5x128xi32, #tpu.memory_space<vmem>> -> memref<1x5x128xi32, #tpu.memory_space<vmem>>
      %dma_wait3A_720 = tpu.memref_squeeze %dma_wait3A_719 : memref<1x5x128xi32, #tpu.memory_space<vmem>> -> memref<5x128xi32, #tpu.memory_space<vmem>>
      %dma_wait3A_721 = arith.constant 0 : i32
      %dma_wait3A_722 = tpu.memref_slice %arg3[%mul3A_709, %dma_wait3A_721] : memref<2560x128xi32, #tpu.memory_space<hbm>> -> memref<5x128xi32, #tpu.memory_space<hbm>>
      tpu.wait_dma2 semaphore(%arg16 : memref<!tpu.dma_semaphore, #tpu.memory_space<semaphore_mem>>) src(%dma_wait3A_722 : memref<5x128xi32, #tpu.memory_space<hbm>>) dst(%dma_wait3A_720 : memref<5x128xi32, #tpu.memory_space<vmem>>)
      %dma_start3A_723 = arith.constant 3 : i32
      %dma_start3A_724 = arith.constant 0 : i32
      %dma_start3A_725 = arith.constant 3 : i32
      %dma_start3A_726 = arith.constant 0 : i32
      %dma_start3A_727 = arith.constant 0 : i32
      %dma_start3A_728 = tpu.memref_slice %arg6[%dma_start3A_725, %dma_start3A_726, %dma_start3A_727] : memref<4x640x32xf32, #tpu.memory_space<vmem>> -> memref<1x128x32xf32, #tpu.memory_space<vmem>>
      %dma_start3A_729 = tpu.memref_squeeze %dma_start3A_728 : memref<1x128x32xf32, #tpu.memory_space<vmem>> -> memref<128x32xf32, #tpu.memory_space<vmem>>
      %dma_start3A_730 = arith.constant 0 : i32
      %dma_start3A_731 = tpu.memref_slice %arg5[%dma_start3A_723, %dma_start3A_724, %dma_start3A_730] : memref<4x5x128xi32, #tpu.memory_space<vmem>> -> memref<1x1x128xi32, #tpu.memory_space<vmem>>
      %dma_start3A_732 = tpu.memref_squeeze %dma_start3A_731 : memref<1x1x128xi32, #tpu.memory_space<vmem>> -> memref<128xi32, #tpu.memory_space<vmem>>
      %dma_start3A_733 = arith.constant 0 : i32
      %dma_start3A_734 = arith.constant 0 : i32
      %dma_start3A_735 = tpu.memref_slice %arg7[%dma_start3A_733, %dma_start3A_734] : memref<14x32xf32, #tpu.memory_space<vmem_shared>> -> memref<14x32xf32, #tpu.memory_space<vmem_shared>>
      tpu.enqueue_indirect_dma source(%dma_start3A_735 : memref<14x32xf32, #tpu.memory_space<vmem_shared>>) target(%dma_start3A_729 : memref<128x32xf32, #tpu.memory_space<vmem>>) offsets(%dma_start3A_732 : memref<128xi32, #tpu.memory_space<vmem>>) semaphore(%arg8 : memref<!tpu.dma_semaphore, #tpu.memory_space<semaphore_mem>>)
      %dma_start3A_736 = arith.constant 3 : i32
      %dma_start3A_737 = arith.constant 1 : i32
      %dma_start3A_738 = arith.constant 3 : i32
      %dma_start3A_739 = arith.constant 128 : i32
      %dma_start3A_740 = arith.constant 0 : i32
      %dma_start3A_741 = tpu.memref_slice %arg6[%dma_start3A_738, %dma_start3A_739, %dma_start3A_740] : memref<4x640x32xf32, #tpu.memory_space<vmem>> -> memref<1x128x32xf32, #tpu.memory_space<vmem>>
      %dma_start3A_742 = tpu.memref_squeeze %dma_start3A_741 : memref<1x128x32xf32, #tpu.memory_space<vmem>> -> memref<128x32xf32, #tpu.memory_space<vmem>>
      %dma_start3A_743 = arith.constant 0 : i32
      %dma_start3A_744 = tpu.memref_slice %arg5[%dma_start3A_736, %dma_start3A_737, %dma_start3A_743] : memref<4x5x128xi32, #tpu.memory_space<vmem>> -> memref<1x1x128xi32, #tpu.memory_space<vmem>>
      %dma_start3A_745 = tpu.memref_squeeze %dma_start3A_744 : memref<1x1x128xi32, #tpu.memory_space<vmem>> -> memref<128xi32, #tpu.memory_space<vmem>>
      %dma_start3A_746 = arith.constant 0 : i32
      %dma_start3A_747 = arith.constant 0 : i32
      %dma_start3A_748 = tpu.memref_slice %arg7[%dma_start3A_746, %dma_start3A_747] : memref<14x32xf32, #tpu.memory_space<vmem_shared>> -> memref<14x32xf32, #tpu.memory_space<vmem_shared>>
      tpu.enqueue_indirect_dma source(%dma_start3A_748 : memref<14x32xf32, #tpu.memory_space<vmem_shared>>) target(%dma_start3A_742 : memref<128x32xf32, #tpu.memory_space<vmem>>) offsets(%dma_start3A_745 : memref<128xi32, #tpu.memory_space<vmem>>) semaphore(%arg8 : memref<!tpu.dma_semaphore, #tpu.memory_space<semaphore_mem>>)
      %dma_start3A_749 = arith.constant 3 : i32
      %dma_start3A_750 = arith.constant 2 : i32
      %dma_start3A_751 = arith.constant 3 : i32
      %dma_start3A_752 = arith.constant 256 : i32
      %dma_start3A_753 = arith.constant 0 : i32
      %dma_start3A_754 = tpu.memref_slice %arg6[%dma_start3A_751, %dma_start3A_752, %dma_start3A_753] : memref<4x640x32xf32, #tpu.memory_space<vmem>> -> memref<1x128x32xf32, #tpu.memory_space<vmem>>
      %dma_start3A_755 = tpu.memref_squeeze %dma_start3A_754 : memref<1x128x32xf32, #tpu.memory_space<vmem>> -> memref<128x32xf32, #tpu.memory_space<vmem>>
      %dma_start3A_756 = arith.constant 0 : i32
      %dma_start3A_757 = tpu.memref_slice %arg5[%dma_start3A_749, %dma_start3A_750, %dma_start3A_756] : memref<4x5x128xi32, #tpu.memory_space<vmem>> -> memref<1x1x128xi32, #tpu.memory_space<vmem>>
      %dma_start3A_758 = tpu.memref_squeeze %dma_start3A_757 : memref<1x1x128xi32, #tpu.memory_space<vmem>> -> memref<128xi32, #tpu.memory_space<vmem>>
      %dma_start3A_759 = arith.constant 0 : i32
      %dma_start3A_760 = arith.constant 0 : i32
      %dma_start3A_761 = tpu.memref_slice %arg7[%dma_start3A_759, %dma_start3A_760] : memref<14x32xf32, #tpu.memory_space<vmem_shared>> -> memref<14x32xf32, #tpu.memory_space<vmem_shared>>
      tpu.enqueue_indirect_dma source(%dma_start3A_761 : memref<14x32xf32, #tpu.memory_space<vmem_shared>>) target(%dma_start3A_755 : memref<128x32xf32, #tpu.memory_space<vmem>>) offsets(%dma_start3A_758 : memref<128xi32, #tpu.memory_space<vmem>>) semaphore(%arg8 : memref<!tpu.dma_semaphore, #tpu.memory_space<semaphore_mem>>)
      %dma_start3A_762 = arith.constant 3 : i32
      %dma_start3A_763 = arith.constant 3 : i32
      %dma_start3A_764 = arith.constant 3 : i32
      %dma_start3A_765 = arith.constant 384 : i32
      %dma_start3A_766 = arith.constant 0 : i32
      %dma_start3A_767 = tpu.memref_slice %arg6[%dma_start3A_764, %dma_start3A_765, %dma_start3A_766] : memref<4x640x32xf32, #tpu.memory_space<vmem>> -> memref<1x128x32xf32, #tpu.memory_space<vmem>>
      %dma_start3A_768 = tpu.memref_squeeze %dma_start3A_767 : memref<1x128x32xf32, #tpu.memory_space<vmem>> -> memref<128x32xf32, #tpu.memory_space<vmem>>
      %dma_start3A_769 = arith.constant 0 : i32
      %dma_start3A_770 = tpu.memref_slice %arg5[%dma_start3A_762, %dma_start3A_763, %dma_start3A_769] : memref<4x5x128xi32, #tpu.memory_space<vmem>> -> memref<1x1x128xi32, #tpu.memory_space<vmem>>
      %dma_start3A_771 = tpu.memref_squeeze %dma_start3A_770 : memref<1x1x128xi32, #tpu.memory_space<vmem>> -> memref<128xi32, #tpu.memory_space<vmem>>
      %dma_start3A_772 = arith.constant 0 : i32
      %dma_start3A_773 = arith.constant 0 : i32
      %dma_start3A_774 = tpu.memref_slice %arg7[%dma_start3A_772, %dma_start3A_773] : memref<14x32xf32, #tpu.memory_space<vmem_shared>> -> memref<14x32xf32, #tpu.memory_space<vmem_shared>>
      tpu.enqueue_indirect_dma source(%dma_start3A_774 : memref<14x32xf32, #tpu.memory_space<vmem_shared>>) target(%dma_start3A_768 : memref<128x32xf32, #tpu.memory_space<vmem>>) offsets(%dma_start3A_771 : memref<128xi32, #tpu.memory_space<vmem>>) semaphore(%arg8 : memref<!tpu.dma_semaphore, #tpu.memory_space<semaphore_mem>>)
      %dma_start3A_775 = arith.constant 3 : i32
      %dma_start3A_776 = arith.constant 4 : i32
      %dma_start3A_777 = arith.constant 3 : i32
      %dma_start3A_778 = arith.constant 512 : i32
      %dma_start3A_779 = arith.constant 0 : i32
      %dma_start3A_780 = tpu.memref_slice %arg6[%dma_start3A_777, %dma_start3A_778, %dma_start3A_779] : memref<4x640x32xf32, #tpu.memory_space<vmem>> -> memref<1x128x32xf32, #tpu.memory_space<vmem>>
      %dma_start3A_781 = tpu.memref_squeeze %dma_start3A_780 : memref<1x128x32xf32, #tpu.memory_space<vmem>> -> memref<128x32xf32, #tpu.memory_space<vmem>>
      %dma_start3A_782 = arith.constant 0 : i32
      %dma_start3A_783 = tpu.memref_slice %arg5[%dma_start3A_775, %dma_start3A_776, %dma_start3A_782] : memref<4x5x128xi32, #tpu.memory_space<vmem>> -> memref<1x1x128xi32, #tpu.memory_space<vmem>>
      %dma_start3A_784 = tpu.memref_squeeze %dma_start3A_783 : memref<1x1x128xi32, #tpu.memory_space<vmem>> -> memref<128xi32, #tpu.memory_space<vmem>>
      %dma_start3A_785 = arith.constant 0 : i32
      %dma_start3A_786 = arith.constant 0 : i32
      %dma_start3A_787 = tpu.memref_slice %arg7[%dma_start3A_785, %dma_start3A_786] : memref<14x32xf32, #tpu.memory_space<vmem_shared>> -> memref<14x32xf32, #tpu.memory_space<vmem_shared>>
      tpu.enqueue_indirect_dma source(%dma_start3A_787 : memref<14x32xf32, #tpu.memory_space<vmem_shared>>) target(%dma_start3A_781 : memref<128x32xf32, #tpu.memory_space<vmem>>) offsets(%dma_start3A_784 : memref<128xi32, #tpu.memory_space<vmem>>) semaphore(%arg8 : memref<!tpu.dma_semaphore, #tpu.memory_space<semaphore_mem>>)
      %dma_wait3A_788 = arith.constant 3 : i32
      %dma_wait3A_789 = arith.constant 0 : i32
      %dma_wait3A_790 = arith.constant 3 : i32
      %dma_wait3A_791 = arith.constant 0 : i32
      %dma_wait3A_792 = arith.constant 0 : i32
      %dma_wait3A_793 = tpu.memref_slice %arg6[%dma_wait3A_790, %dma_wait3A_791, %dma_wait3A_792] : memref<4x640x32xf32, #tpu.memory_space<vmem>> -> memref<1x128x32xf32, #tpu.memory_space<vmem>>
      %dma_wait3A_794 = tpu.memref_squeeze %dma_wait3A_793 : memref<1x128x32xf32, #tpu.memory_space<vmem>> -> memref<128x32xf32, #tpu.memory_space<vmem>>
      %dma_wait3A_795 = arith.constant 0 : i32
      %dma_wait3A_796 = tpu.memref_slice %arg5[%dma_wait3A_788, %dma_wait3A_789, %dma_wait3A_795] : memref<4x5x128xi32, #tpu.memory_space<vmem>> -> memref<1x1x128xi32, #tpu.memory_space<vmem>>
      %dma_wait3A_797 = tpu.memref_squeeze %dma_wait3A_796 : memref<1x1x128xi32, #tpu.memory_space<vmem>> -> memref<128xi32, #tpu.memory_space<vmem>>
      %dma_wait3A_798 = arith.constant 0 : i32
      %dma_wait3A_799 = arith.constant 0 : i32
      %dma_wait3A_800 = tpu.memref_slice %arg7[%dma_wait3A_798, %dma_wait3A_799] : memref<14x32xf32, #tpu.memory_space<vmem_shared>> -> memref<14x32xf32, #tpu.memory_space<vmem_shared>>
      tpu.wait_indirect_dma semaphore(%arg8 : memref<!tpu.dma_semaphore, #tpu.memory_space<semaphore_mem>>) src(%dma_wait3A_800 : memref<14x32xf32, #tpu.memory_space<vmem_shared>>) dst(%dma_wait3A_794 : memref<128x32xf32, #tpu.memory_space<vmem>>)
      %dma_wait3A_801 = arith.constant 3 : i32
      %dma_wait3A_802 = arith.constant 1 : i32
      %dma_wait3A_803 = arith.constant 3 : i32
      %dma_wait3A_804 = arith.constant 128 : i32
      %dma_wait3A_805 = arith.constant 0 : i32
      %dma_wait3A_806 = tpu.memref_slice %arg6[%dma_wait3A_803, %dma_wait3A_804, %dma_wait3A_805] : memref<4x640x32xf32, #tpu.memory_space<vmem>> -> memref<1x128x32xf32, #tpu.memory_space<vmem>>
      %dma_wait3A_807 = tpu.memref_squeeze %dma_wait3A_806 : memref<1x128x32xf32, #tpu.memory_space<vmem>> -> memref<128x32xf32, #tpu.memory_space<vmem>>
      %dma_wait3A_808 = arith.constant 0 : i32
      %dma_wait3A_809 = tpu.memref_slice %arg5[%dma_wait3A_801, %dma_wait3A_802, %dma_wait3A_808] : memref<4x5x128xi32, #tpu.memory_space<vmem>> -> memref<1x1x128xi32, #tpu.memory_space<vmem>>
      %dma_wait3A_810 = tpu.memref_squeeze %dma_wait3A_809 : memref<1x1x128xi32, #tpu.memory_space<vmem>> -> memref<128xi32, #tpu.memory_space<vmem>>
      %dma_wait3A_811 = arith.constant 0 : i32
      %dma_wait3A_812 = arith.constant 0 : i32
      %dma_wait3A_813 = tpu.memref_slice %arg7[%dma_wait3A_811, %dma_wait3A_812] : memref<14x32xf32, #tpu.memory_space<vmem_shared>> -> memref<14x32xf32, #tpu.memory_space<vmem_shared>>
      tpu.wait_indirect_dma semaphore(%arg8 : memref<!tpu.dma_semaphore, #tpu.memory_space<semaphore_mem>>) src(%dma_wait3A_813 : memref<14x32xf32, #tpu.memory_space<vmem_shared>>) dst(%dma_wait3A_807 : memref<128x32xf32, #tpu.memory_space<vmem>>)
      %dma_wait3A_814 = arith.constant 3 : i32
      %dma_wait3A_815 = arith.constant 2 : i32
      %dma_wait3A_816 = arith.constant 3 : i32
      %dma_wait3A_817 = arith.constant 256 : i32
      %dma_wait3A_818 = arith.constant 0 : i32
      %dma_wait3A_819 = tpu.memref_slice %arg6[%dma_wait3A_816, %dma_wait3A_817, %dma_wait3A_818] : memref<4x640x32xf32, #tpu.memory_space<vmem>> -> memref<1x128x32xf32, #tpu.memory_space<vmem>>
      %dma_wait3A_820 = tpu.memref_squeeze %dma_wait3A_819 : memref<1x128x32xf32, #tpu.memory_space<vmem>> -> memref<128x32xf32, #tpu.memory_space<vmem>>
      %dma_wait3A_821 = arith.constant 0 : i32
      %dma_wait3A_822 = tpu.memref_slice %arg5[%dma_wait3A_814, %dma_wait3A_815, %dma_wait3A_821] : memref<4x5x128xi32, #tpu.memory_space<vmem>> -> memref<1x1x128xi32, #tpu.memory_space<vmem>>
      %dma_wait3A_823 = tpu.memref_squeeze %dma_wait3A_822 : memref<1x1x128xi32, #tpu.memory_space<vmem>> -> memref<128xi32, #tpu.memory_space<vmem>>
      %dma_wait3A_824 = arith.constant 0 : i32
      %dma_wait3A_825 = arith.constant 0 : i32
      %dma_wait3A_826 = tpu.memref_slice %arg7[%dma_wait3A_824, %dma_wait3A_825] : memref<14x32xf32, #tpu.memory_space<vmem_shared>> -> memref<14x32xf32, #tpu.memory_space<vmem_shared>>
      tpu.wait_indirect_dma semaphore(%arg8 : memref<!tpu.dma_semaphore, #tpu.memory_space<semaphore_mem>>) src(%dma_wait3A_826 : memref<14x32xf32, #tpu.memory_space<vmem_shared>>) dst(%dma_wait3A_820 : memref<128x32xf32, #tpu.memory_space<vmem>>)
      %dma_wait3A_827 = arith.constant 3 : i32
      %dma_wait3A_828 = arith.constant 3 : i32
      %dma_wait3A_829 = arith.constant 3 : i32
      %dma_wait3A_830 = arith.constant 384 : i32
      %dma_wait3A_831 = arith.constant 0 : i32
      %dma_wait3A_832 = tpu.memref_slice %arg6[%dma_wait3A_829, %dma_wait3A_830, %dma_wait3A_831] : memref<4x640x32xf32, #tpu.memory_space<vmem>> -> memref<1x128x32xf32, #tpu.memory_space<vmem>>
      %dma_wait3A_833 = tpu.memref_squeeze %dma_wait3A_832 : memref<1x128x32xf32, #tpu.memory_space<vmem>> -> memref<128x32xf32, #tpu.memory_space<vmem>>
      %dma_wait3A_834 = arith.constant 0 : i32
      %dma_wait3A_835 = tpu.memref_slice %arg5[%dma_wait3A_827, %dma_wait3A_828, %dma_wait3A_834] : memref<4x5x128xi32, #tpu.memory_space<vmem>> -> memref<1x1x128xi32, #tpu.memory_space<vmem>>
      %dma_wait3A_836 = tpu.memref_squeeze %dma_wait3A_835 : memref<1x1x128xi32, #tpu.memory_space<vmem>> -> memref<128xi32, #tpu.memory_space<vmem>>
      %dma_wait3A_837 = arith.constant 0 : i32
      %dma_wait3A_838 = arith.constant 0 : i32
      %dma_wait3A_839 = tpu.memref_slice %arg7[%dma_wait3A_837, %dma_wait3A_838] : memref<14x32xf32, #tpu.memory_space<vmem_shared>> -> memref<14x32xf32, #tpu.memory_space<vmem_shared>>
      tpu.wait_indirect_dma semaphore(%arg8 : memref<!tpu.dma_semaphore, #tpu.memory_space<semaphore_mem>>) src(%dma_wait3A_839 : memref<14x32xf32, #tpu.memory_space<vmem_shared>>) dst(%dma_wait3A_833 : memref<128x32xf32, #tpu.memory_space<vmem>>)
      %dma_wait3A_840 = arith.constant 3 : i32
      %dma_wait3A_841 = arith.constant 4 : i32
      %dma_wait3A_842 = arith.constant 3 : i32
      %dma_wait3A_843 = arith.constant 512 : i32
      %dma_wait3A_844 = arith.constant 0 : i32
      %dma_wait3A_845 = tpu.memref_slice %arg6[%dma_wait3A_842, %dma_wait3A_843, %dma_wait3A_844] : memref<4x640x32xf32, #tpu.memory_space<vmem>> -> memref<1x128x32xf32, #tpu.memory_space<vmem>>
      %dma_wait3A_846 = tpu.memref_squeeze %dma_wait3A_845 : memref<1x128x32xf32, #tpu.memory_space<vmem>> -> memref<128x32xf32, #tpu.memory_space<vmem>>
      %dma_wait3A_847 = arith.constant 0 : i32
      %dma_wait3A_848 = tpu.memref_slice %arg5[%dma_wait3A_840, %dma_wait3A_841, %dma_wait3A_847] : memref<4x5x128xi32, #tpu.memory_space<vmem>> -> memref<1x1x128xi32, #tpu.memory_space<vmem>>
      %dma_wait3A_849 = tpu.memref_squeeze %dma_wait3A_848 : memref<1x1x128xi32, #tpu.memory_space<vmem>> -> memref<128xi32, #tpu.memory_space<vmem>>
      %dma_wait3A_850 = arith.constant 0 : i32
      %dma_wait3A_851 = arith.constant 0 : i32
      %dma_wait3A_852 = tpu.memref_slice %arg7[%dma_wait3A_850, %dma_wait3A_851] : memref<14x32xf32, #tpu.memory_space<vmem_shared>> -> memref<14x32xf32, #tpu.memory_space<vmem_shared>>
      tpu.wait_indirect_dma semaphore(%arg8 : memref<!tpu.dma_semaphore, #tpu.memory_space<semaphore_mem>>) src(%dma_wait3A_852 : memref<14x32xf32, #tpu.memory_space<vmem_shared>>) dst(%dma_wait3A_846 : memref<128x32xf32, #tpu.memory_space<vmem>>)
      %add3A_853 = arith.constant 3 : i32
      %add3A_854 = arith.addi %add3A_162, %add3A_853 : i32
      %add3A_855 = arith.constant 4 : i32
      %add3A_856 = arith.addi %add3A_854, %add3A_855 : i32
      %lt3A_857 = arith.constant 16 : i32
      %lt3A_858 = arith.cmpi slt, %add3A_856, %lt3A_857 : i32
      %convert_element_type3A_859 = arith.extui %lt3A_858 : i1 to i32
      %cond3A_860 = arith.constant 0 : i32
      %cond3A_861 = arith.cmpi ne, %convert_element_type3A_859, %cond3A_860 : i32
      scf.if %cond3A_861 {
        %add3A_877 = arith.constant 4 : i32
        %add3A_878 = arith.addi %add3A_700, %add3A_877 : i32
        %mul3A_879 = arith.constant 5 : i32
        %mul3A_880 = arith.muli %add3A_878, %mul3A_879 : i32
        %dma_start3A_881 = arith.constant 3 : i32
        %dma_start3A_882 = arith.constant 0 : i32
        %dma_start3A_883 = arith.constant 0 : i32
        %dma_start3A_884 = tpu.memref_slice %arg5[%dma_start3A_881, %dma_start3A_882, %dma_start3A_883] : memref<4x5x128xi32, #tpu.memory_space<vmem>> -> memref<1x5x128xi32, #tpu.memory_space<vmem>>
        %dma_start3A_885 = tpu.memref_squeeze %dma_start3A_884 : memref<1x5x128xi32, #tpu.memory_space<vmem>> -> memref<5x128xi32, #tpu.memory_space<vmem>>
        %dma_start3A_886 = arith.constant 0 : i32
        %dma_start3A_887 = tpu.memref_slice %arg3[%mul3A_880, %dma_start3A_886] : memref<2560x128xi32, #tpu.memory_space<hbm>> -> memref<5x128xi32, #tpu.memory_space<hbm>>
        %dma_start3A_888 = arith.constant 0 : i32
        %dma_start3A_889 = arith.constant 0 : i32
        %dma_start3A_890 = tpu.memref_slice %arg5[%dma_start3A_881, %dma_start3A_888, %dma_start3A_889] : memref<4x5x128xi32, #tpu.memory_space<vmem>> -> memref<1x5x128xi32, #tpu.memory_space<vmem>>
        %dma_start3A_891 = tpu.memref_squeeze %dma_start3A_890 : memref<1x5x128xi32, #tpu.memory_space<vmem>> -> memref<5x128xi32, #tpu.memory_space<vmem>>
        %dma_start3A_892 = arith.constant 0 : i32
        %dma_start3A_893 = tpu.memref_slice %arg3[%mul3A_880, %dma_start3A_892] : memref<2560x128xi32, #tpu.memory_space<hbm>> -> memref<5x128xi32, #tpu.memory_space<hbm>>
        tpu.enqueue_dma source(%dma_start3A_893 : memref<5x128xi32, #tpu.memory_space<hbm>>) target(%dma_start3A_891 : memref<5x128xi32, #tpu.memory_space<vmem>>) target_semaphore(%arg16 : memref<!tpu.dma_semaphore, #tpu.memory_space<semaphore_mem>>)
      } else {
      }
      %mul3A_862 = arith.constant 640 : i32
      %mul3A_863 = arith.muli %add3A_700, %mul3A_862 : i32
      %dma_start3A_864 = arith.constant 3 : i32
      %dma_start3A_865 = arith.constant 0 : i32
      %dma_start3A_866 = arith.constant 0 : i32
      %dma_start3A_867 = tpu.memref_slice %arg6[%dma_start3A_864, %dma_start3A_865, %dma_start3A_866] : memref<4x640x32xf32, #tpu.memory_space<vmem>> -> memref<1x640x32xf32, #tpu.memory_space<vmem>>
      %dma_start3A_868 = tpu.memref_squeeze %dma_start3A_867 : memref<1x640x32xf32, #tpu.memory_space<vmem>> -> memref<640x32xf32, #tpu.memory_space<vmem>>
      %dma_start3A_869 = arith.constant 0 : i32
      %dma_start3A_870 = tpu.memref_slice %arg4[%mul3A_863, %dma_start3A_869] : memref<327680x32xf32, #tpu.memory_space<hbm>> -> memref<640x32xf32, #tpu.memory_space<hbm>>
      %dma_start3A_871 = arith.constant 0 : i32
      %dma_start3A_872 = tpu.memref_slice %arg4[%mul3A_863, %dma_start3A_871] : memref<327680x32xf32, #tpu.memory_space<hbm>> -> memref<640x32xf32, #tpu.memory_space<hbm>>
      %dma_start3A_873 = arith.constant 0 : i32
      %dma_start3A_874 = arith.constant 0 : i32
      %dma_start3A_875 = tpu.memref_slice %arg6[%dma_start3A_864, %dma_start3A_873, %dma_start3A_874] : memref<4x640x32xf32, #tpu.memory_space<vmem>> -> memref<1x640x32xf32, #tpu.memory_space<vmem>>
      %dma_start3A_876 = tpu.memref_squeeze %dma_start3A_875 : memref<1x640x32xf32, #tpu.memory_space<vmem>> -> memref<640x32xf32, #tpu.memory_space<vmem>>
      tpu.enqueue_dma source(%dma_start3A_876 : memref<640x32xf32, #tpu.memory_space<vmem>>) target(%dma_start3A_872 : memref<640x32xf32, #tpu.memory_space<hbm>>) target_semaphore(%arg12 : memref<!tpu.dma_semaphore, #tpu.memory_space<semaphore_mem>>)
    }
    %scan3A_75 = arith.constant 4 : i32
    %add3A_76 = arith.constant 16 : i32
    %add3A_77 = arith.addi %mul3A_2, %add3A_76 : i32
    %sub3A = arith.constant 4 : i32
    %sub3A_78 = arith.subi %add3A_77, %sub3A : i32
    %add3A_79 = arith.constant 0 : i32
    %add3A_80 = arith.addi %sub3A_78, %add3A_79 : i32
    %mul3A_81 = arith.constant 640 : i32
    %mul3A_82 = arith.muli %add3A_80, %mul3A_81 : i32
    %dma_wait3A = arith.constant 0 : i32
    %dma_wait3A_83 = arith.constant 0 : i32
    %dma_wait3A_84 = arith.constant 0 : i32
    %dma_wait3A_85 = tpu.memref_slice %arg6[%dma_wait3A, %dma_wait3A_83, %dma_wait3A_84] : memref<4x640x32xf32, #tpu.memory_space<vmem>> -> memref<1x640x32xf32, #tpu.memory_space<vmem>>
    %dma_wait3A_86 = tpu.memref_squeeze %dma_wait3A_85 : memref<1x640x32xf32, #tpu.memory_space<vmem>> -> memref<640x32xf32, #tpu.memory_space<vmem>>
    %dma_wait3A_87 = arith.constant 0 : i32
    %dma_wait3A_88 = tpu.memref_slice %arg4[%mul3A_82, %dma_wait3A_87] : memref<327680x32xf32, #tpu.memory_space<hbm>> -> memref<640x32xf32, #tpu.memory_space<hbm>>
    %dma_wait3A_89 = arith.constant 0 : i32
    %dma_wait3A_90 = tpu.memref_slice %arg4[%mul3A_82, %dma_wait3A_89] : memref<327680x32xf32, #tpu.memory_space<hbm>> -> memref<640x32xf32, #tpu.memory_space<hbm>>
    %dma_wait3A_91 = arith.constant 0 : i32
    %dma_wait3A_92 = arith.constant 0 : i32
    %dma_wait3A_93 = tpu.memref_slice %arg6[%dma_wait3A, %dma_wait3A_91, %dma_wait3A_92] : memref<4x640x32xf32, #tpu.memory_space<vmem>> -> memref<1x640x32xf32, #tpu.memory_space<vmem>>
    %dma_wait3A_94 = tpu.memref_squeeze %dma_wait3A_93 : memref<1x640x32xf32, #tpu.memory_space<vmem>> -> memref<640x32xf32, #tpu.memory_space<vmem>>
    tpu.wait_dma2 semaphore(%arg9 : memref<!tpu.dma_semaphore, #tpu.memory_space<semaphore_mem>>) src(%dma_wait3A_94 : memref<640x32xf32, #tpu.memory_space<vmem>>) dst(%dma_wait3A_90 : memref<640x32xf32, #tpu.memory_space<hbm>>)
    %add3A_95 = arith.constant 16 : i32
    %add3A_96 = arith.addi %mul3A_2, %add3A_95 : i32
    %sub3A_97 = arith.constant 4 : i32
    %sub3A_98 = arith.subi %add3A_96, %sub3A_97 : i32
    %add3A_99 = arith.constant 1 : i32
    %add3A_100 = arith.addi %sub3A_98, %add3A_99 : i32
    %mul3A_101 = arith.constant 640 : i32
    %mul3A_102 = arith.muli %add3A_100, %mul3A_101 : i32
    %dma_wait3A_103 = arith.constant 1 : i32
    %dma_wait3A_104 = arith.constant 0 : i32
    %dma_wait3A_105 = arith.constant 0 : i32
    %dma_wait3A_106 = tpu.memref_slice %arg6[%dma_wait3A_103, %dma_wait3A_104, %dma_wait3A_105] : memref<4x640x32xf32, #tpu.memory_space<vmem>> -> memref<1x640x32xf32, #tpu.memory_space<vmem>>
    %dma_wait3A_107 = tpu.memref_squeeze %dma_wait3A_106 : memref<1x640x32xf32, #tpu.memory_space<vmem>> -> memref<640x32xf32, #tpu.memory_space<vmem>>
    %dma_wait3A_108 = arith.constant 0 : i32
    %dma_wait3A_109 = tpu.memref_slice %arg4[%mul3A_102, %dma_wait3A_108] : memref<327680x32xf32, #tpu.memory_space<hbm>> -> memref<640x32xf32, #tpu.memory_space<hbm>>
    %dma_wait3A_110 = arith.constant 0 : i32
    %dma_wait3A_111 = tpu.memref_slice %arg4[%mul3A_102, %dma_wait3A_110] : memref<327680x32xf32, #tpu.memory_space<hbm>> -> memref<640x32xf32, #tpu.memory_space<hbm>>
    %dma_wait3A_112 = arith.constant 0 : i32
    %dma_wait3A_113 = arith.constant 0 : i32
    %dma_wait3A_114 = tpu.memref_slice %arg6[%dma_wait3A_103, %dma_wait3A_112, %dma_wait3A_113] : memref<4x640x32xf32, #tpu.memory_space<vmem>> -> memref<1x640x32xf32, #tpu.memory_space<vmem>>
    %dma_wait3A_115 = tpu.memref_squeeze %dma_wait3A_114 : memref<1x640x32xf32, #tpu.memory_space<vmem>> -> memref<640x32xf32, #tpu.memory_space<vmem>>
    tpu.wait_dma2 semaphore(%arg10 : memref<!tpu.dma_semaphore, #tpu.memory_space<semaphore_mem>>) src(%dma_wait3A_115 : memref<640x32xf32, #tpu.memory_space<vmem>>) dst(%dma_wait3A_111 : memref<640x32xf32, #tpu.memory_space<hbm>>)
    %add3A_116 = arith.constant 16 : i32
    %add3A_117 = arith.addi %mul3A_2, %add3A_116 : i32
    %sub3A_118 = arith.constant 4 : i32
    %sub3A_119 = arith.subi %add3A_117, %sub3A_118 : i32
    %add3A_120 = arith.constant 2 : i32
    %add3A_121 = arith.addi %sub3A_119, %add3A_120 : i32
    %mul3A_122 = arith.constant 640 : i32
    %mul3A_123 = arith.muli %add3A_121, %mul3A_122 : i32
    %dma_wait3A_124 = arith.constant 2 : i32
    %dma_wait3A_125 = arith.constant 0 : i32
    %dma_wait3A_126 = arith.constant 0 : i32
    %dma_wait3A_127 = tpu.memref_slice %arg6[%dma_wait3A_124, %dma_wait3A_125, %dma_wait3A_126] : memref<4x640x32xf32, #tpu.memory_space<vmem>> -> memref<1x640x32xf32, #tpu.memory_space<vmem>>
    %dma_wait3A_128 = tpu.memref_squeeze %dma_wait3A_127 : memref<1x640x32xf32, #tpu.memory_space<vmem>> -> memref<640x32xf32, #tpu.memory_space<vmem>>
    %dma_wait3A_129 = arith.constant 0 : i32
    %dma_wait3A_130 = tpu.memref_slice %arg4[%mul3A_123, %dma_wait3A_129] : memref<327680x32xf32, #tpu.memory_space<hbm>> -> memref<640x32xf32, #tpu.memory_space<hbm>>
    %dma_wait3A_131 = arith.constant 0 : i32
    %dma_wait3A_132 = tpu.memref_slice %arg4[%mul3A_123, %dma_wait3A_131] : memref<327680x32xf32, #tpu.memory_space<hbm>> -> memref<640x32xf32, #tpu.memory_space<hbm>>
    %dma_wait3A_133 = arith.constant 0 : i32
    %dma_wait3A_134 = arith.constant 0 : i32
    %dma_wait3A_135 = tpu.memref_slice %arg6[%dma_wait3A_124, %dma_wait3A_133, %dma_wait3A_134] : memref<4x640x32xf32, #tpu.memory_space<vmem>> -> memref<1x640x32xf32, #tpu.memory_space<vmem>>
    %dma_wait3A_136 = tpu.memref_squeeze %dma_wait3A_135 : memref<1x640x32xf32, #tpu.memory_space<vmem>> -> memref<640x32xf32, #tpu.memory_space<vmem>>
    tpu.wait_dma2 semaphore(%arg11 : memref<!tpu.dma_semaphore, #tpu.memory_space<semaphore_mem>>) src(%dma_wait3A_136 : memref<640x32xf32, #tpu.memory_space<vmem>>) dst(%dma_wait3A_132 : memref<640x32xf32, #tpu.memory_space<hbm>>)
    %add3A_137 = arith.constant 16 : i32
    %add3A_138 = arith.addi %mul3A_2, %add3A_137 : i32
    %sub3A_139 = arith.constant 4 : i32
    %sub3A_140 = arith.subi %add3A_138, %sub3A_139 : i32
    %add3A_141 = arith.constant 3 : i32
    %add3A_142 = arith.addi %sub3A_140, %add3A_141 : i32
    %mul3A_143 = arith.constant 640 : i32
    %mul3A_144 = arith.muli %add3A_142, %mul3A_143 : i32
    %dma_wait3A_145 = arith.constant 3 : i32
    %dma_wait3A_146 = arith.constant 0 : i32
    %dma_wait3A_147 = arith.constant 0 : i32
    %dma_wait3A_148 = tpu.memref_slice %arg6[%dma_wait3A_145, %dma_wait3A_146, %dma_wait3A_147] : memref<4x640x32xf32, #tpu.memory_space<vmem>> -> memref<1x640x32xf32, #tpu.memory_space<vmem>>
    %dma_wait3A_149 = tpu.memref_squeeze %dma_wait3A_148 : memref<1x640x32xf32, #tpu.memory_space<vmem>> -> memref<640x32xf32, #tpu.memory_space<vmem>>
    %dma_wait3A_150 = arith.constant 0 : i32
    %dma_wait3A_151 = tpu.memref_slice %arg4[%mul3A_144, %dma_wait3A_150] : memref<327680x32xf32, #tpu.memory_space<hbm>> -> memref<640x32xf32, #tpu.memory_space<hbm>>
    %dma_wait3A_152 = arith.constant 0 : i32
    %dma_wait3A_153 = tpu.memref_slice %arg4[%mul3A_144, %dma_wait3A_152] : memref<327680x32xf32, #tpu.memory_space<hbm>> -> memref<640x32xf32, #tpu.memory_space<hbm>>
    %dma_wait3A_154 = arith.constant 0 : i32
    %dma_wait3A_155 = arith.constant 0 : i32
    %dma_wait3A_156 = tpu.memref_slice %arg6[%dma_wait3A_145, %dma_wait3A_154, %dma_wait3A_155] : memref<4x640x32xf32, #tpu.memory_space<vmem>> -> memref<1x640x32xf32, #tpu.memory_space<vmem>>
    %dma_wait3A_157 = tpu.memref_squeeze %dma_wait3A_156 : memref<1x640x32xf32, #tpu.memory_space<vmem>> -> memref<640x32xf32, #tpu.memory_space<vmem>>
    tpu.wait_dma2 semaphore(%arg12 : memref<!tpu.dma_semaphore, #tpu.memory_space<semaphore_mem>>) src(%dma_wait3A_157 : memref<640x32xf32, #tpu.memory_space<vmem>>) dst(%dma_wait3A_153 : memref<640x32xf32, #tpu.memory_space<hbm>>)
    return
  }
}

</mosaic_0001>

<sc_bundles>
// kernel: _sc_gather.3.cloned.1.call-start
scs
__scs_entry_jumppad:
0x0: {  	(pc) =	sbr.rel $0x88, $3  }
0x1: {  	(tag) =	ssettag $0x0;
	lr =	simm.s32 $0x1  }
0x2: {  	[smem:$0x3F9F] =	sst lr;
	_ =	strace $0xD0000000  }
0x3: {  	_ = 	snop  }
0x4: {  	_ = 	snop  }
0x5: {  	_ = 	snop  }
0x6: {  	_ = 	snop  }
0x7: {  	_ = 	snop  }
__scs_overlays_trampoline_lowered:
0x8: {  	[smem:$0x3FAE] =	sst s0  }
0x9: {  	[smem:$0x3FAF] =	sst s1  }
0xa: {  	[smem:$0x3FB0] =	sst s2  }
0xb: {  	[smem:$0x3FB1] =	sst s3  }
0xc: {  	[smem:$0x3FB2] =	sst s4  }
0xd: {  	[smem:$0x3FB3] =	sst s5  }
0xe: {  	[smem:$0x3FB4] =	sst s6  }
0xf: {  	[smem:$0x3FB5] =	sst s7  }
0x10: {  	[smem:$0x3FB6] =	sst s8  }
0x11: {  	[smem:$0x3FB7] =	sst s9;
	s0 =	simm.s32 @!p0 $0x0  }
0x12: {  	s1 =	sld [smem:$0x3F9D];
	s0 =	simm.s32 @p0 $0x1  }
0x13: {  	[smem:$0x3FB8] =	sst s0;
	s0 =	simm.s32 @!p1 $0x0  }
0x14: {  	s2 =	sld [smem:$0x3F9C];
	s0 =	simm.s32 @p1 $0x1  }
0x15: {  	[smem:$0x3FB9] =	sst s0;
	s0 =	simm.s32 @!p2 $0x0  }
0x16: {  	s3 =	sld [smem:$0x3FDB];
	s0 =	simm.s32 @p2 $0x1  }
0x17: {  	s4 =	simm.s32 $0x1BF5;
	[smem:$0x3FBB] =	sst s0  }
0x18: {  	s0 =	sld [smem:$0x3F9E];
	_ =	swait.ge [sflag:s4], $0x0  }
0x19: {  	s7 =	sld [smem:$0x3F9F]  }
0x1a: {  	s8 =	sadd.s32 $0xFFFFE003, lr  }
0x1b: {  	s9 =	sadd.s32 $0xFFFFFEF7, lr;
	s5 =	simm.s32 $0xFFFFFFFF;
	p2 =	slt.u32 s8, $0xFFFFF086  }
0x1c: {  	p1 =	slt.u32 s9, $0xF7A;
	s5 =	simm.s32 @!p2 $0x0  }
0x1d: {  	s5 =	simm.s32 @p1 $0x1;
	p0 =	seq.s32 s7, s2  }
0x1e: {  	s7 =	smul.u32 @!p0 $0xF7A, s2;
	p2 =	seq.s32 @!p0 s5, $0x0  }
0x1f: {  	s9 =	smul.u32 $0xF7A, s1;
	s8 =	simm.s32 @!p0 $0x1BF5;
	p2 =	por !p2, p0  }
0x20: {  	[sflag:s8] =	ssyncset.s32 @!p0 $0xFFFFF086;
	s6 =	sadd.s32 @!p0 s3, s7;
	s7 =	simm.s32 @!p0 $0x108  }
0x21: {  	s3 =	sadd.s32 s3, s9;
	s6 =	sadd.s32 @!p0 $0x88, s6;
	s7 =	simm.s32 @p2 $0x1082  }
0x22: {  	[simem:s7], [sflag:s8] =	dma.local @!p0 [hbm:s6], $0xF7A  }
0x23: {  	s9 =	sor.u32 $0xD0000000, s2;
	s6 =	simm.s32 $0x108;
	_ =	swait.ge @!p0 [sflag:s8], $0x0  }
0x24: {  	s3 =	sadd.s32 $0x88, s3;
	s6 =	simm.s32 @!p1 $0x1082;
	[sflag:s4] =	ssyncset.s32 $0xFFFFF086  }
0x25: {  	[simem:s6], [sflag:s4] =	dma.local [hbm:s3], $0xF7A  }
0x26: {  	[smem:$0x3F9F] =	sst s1;
	(tag) =	ssettag s2;
	_ =	strace s9  }
0x27: {  	s1 =	sld [smem:$0x3FAF]  }
0x28: {  	s2 =	sld [smem:$0x3FB0]  }
0x29: {  	s4 =	sld [smem:$0x3FB2]  }
0x2a: {  	p0 =	seq.s32 s5, $0x0;
	s5 =	sld [smem:$0x3FB3]  }
0x2b: {  	s6 =	sld [smem:$0x3FB4]  }
0x2c: {  	s7 =	sld [smem:$0x3FB5]  }
0x2d: {  	s3 =	simm.s32 $0x108;
	s8 =	sld [smem:$0x3FB6]  }
0x2e: {  	s3 =	simm.s32 @!p0 $0x1082;
	s9 =	sld [smem:$0x3FB7]  }
0x2f: {  	lr =	sadd.s32 s0, s3;
	s0 =	sld [smem:$0x3FAE]  }
0x30: {  	s3 =	sld [smem:$0x3FB1]  }
0x31: {  	[smem:$0x3FBA] =	sst s10  }
0x32: {  	s10 =	sld [smem:$0x3FB8];
	_ =	sdelay $0x3  }
0x33: {  	p0 =	seq.s32 s10, $0x1;
	s10 =	sld [smem:$0x3FBA];
	_ =	sdelay $0x3  }
0x34: {  	[smem:$0x3FBA] =	sst s10  }
0x35: {  	s10 =	sld [smem:$0x3FB9];
	_ =	sdelay $0x3  }
0x36: {  	p1 =	seq.s32 s10, $0x1;
	s10 =	sld [smem:$0x3FBA];
	_ =	sdelay $0x3  }
0x37: {  	[smem:$0x3FBA] =	sst s10  }
0x38: {  	s10 =	sld [smem:$0x3FBB]  }
0x39: {  	_ = 	snop;
	(pc) =	sbr.ind lr, $3  }
0x3a: {  	_ = 	snop  }
0x3b: {  	_ = 	snop  }
0x3c: {  	p2 =	seq.s32 s10, $0x1;
	s10 =	sld [smem:$0x3FBA]  }
0x3d: {  	_ =	shalt  }
0x3e: {  	_ =	shalt  }
0x3f: {  	_ =	shalt  }
0x40: {  	_ =	shalt  }
0x41: {  	_ =	shalt  }
0x42: {  	_ =	shalt  }
0x43: {  	_ =	shalt  }
0x44: {  	_ =	shalt  }
0x45: {  	_ =	shalt  }
0x46: {  	_ =	shalt  }
0x47: {  	_ =	shalt  }
0x48: {  	_ =	shalt  }
0x49: {  	_ =	shalt  }
0x4a: {  	_ =	shalt  }
0x4b: {  	_ =	shalt  }
0x4c: {  	_ =	shalt  }
0x4d: {  	_ =	shalt  }
0x4e: {  	_ =	shalt  }
0x4f: {  	_ =	shalt  }
0x50: {  	_ =	shalt  }
0x51: {  	_ =	shalt  }
0x52: {  	_ =	shalt  }
0x53: {  	_ =	shalt  }
0x54: {  	_ =	shalt  }
0x55: {  	_ =	shalt  }
0x56: {  	_ =	shalt  }
0x57: {  	_ =	shalt  }
0x58: {  	_ =	shalt  }
0x59: {  	_ =	shalt  }
0x5a: {  	_ =	shalt  }
0x5b: {  	_ =	shalt  }
0x5c: {  	_ =	shalt  }
0x5d: {  	_ =	shalt  }
0x5e: {  	_ =	shalt  }
0x5f: {  	_ =	shalt  }
0x60: {  	_ =	shalt  }
0x61: {  	_ =	shalt  }
0x62: {  	_ =	shalt  }
0x63: {  	_ =	shalt  }
0x64: {  	_ =	shalt  }
0x65: {  	_ =	shalt  }
0x66: {  	_ =	shalt  }
0x67: {  	_ =	shalt  }
0x68: {  	_ =	shalt  }
0x69: {  	_ =	shalt  }
0x6a: {  	_ =	shalt  }
0x6b: {  	_ =	shalt  }
0x6c: {  	_ =	shalt  }
0x6d: {  	_ =	shalt  }
0x6e: {  	_ =	shalt  }
0x6f: {  	_ =	shalt  }
0x70: {  	_ =	shalt  }
0x71: {  	_ =	shalt  }
0x72: {  	_ =	shalt  }
0x73: {  	_ =	shalt  }
0x74: {  	_ =	shalt  }
0x75: {  	_ =	shalt  }
0x76: {  	_ =	shalt  }
0x77: {  	_ =	shalt  }
0x78: {  	_ =	shalt  }
0x79: {  	_ =	shalt  }
0x7a: {  	_ =	shalt  }
0x7b: {  	_ =	shalt  }
0x7c: {  	_ =	shalt  }
0x7d: {  	_ =	shalt  }
0x7e: {  	_ =	shalt  }
0x7f: {  	_ =	shalt  }
0x80: {  	_ =	shalt  }
0x81: {  	_ =	shalt  }
0x82: {  	_ =	shalt  }
0x83: {  	_ =	shalt  }
0x84: {  	_ =	shalt  }
0x85: {  	_ =	shalt  }
0x86: {  	_ =	shalt  }
0x87: {  	_ =	shalt  }
.Lfunc_end0:
.L_simem_size_0:
called_computation.1_lowered:
.L_overlay_start_0:
0x88: {  	s2 =	sld [smem:$0x3FD9]  }
0x89: {  	s3 =	sld [smem:$0x3FFE];
	_ =	sdelay $0x1  }
0x8a: {  	s1 =	srdreg.scid  }
0x8b: {  	s0 =	sand.u32 $0x1, s1  }
0x8c: {  	s17 =	sshll.u32 s0, $0xA;
	s2 =	sadd.s32 s3, s2  }
0x8d: {  	s2 =	sadd.s32 s2, s17  }
0x8e: {  	[smem:$0x3FC6] =	sst s2  }
0x8f: {  	_ = 	snop  }
0x90: {  	s2 =	sld [smem:$0x3FC8]  }
0x91: {  	s18 =	sld [smem:$0x3FD0];
	(tm) =	ssettm $0x1  }
0x92: {  	s4 =	sld [smem:$0x3FFB];
	_ =	sdelay $0x3  }
0x93: {  	_ =	strace s4  }
0x94: {  	s4 =	sld [smem:$0x3FFC];
	_ =	sdelay $0x3  }
0x95: {  	_ =	strace s4  }
0x96: {  	s4 =	sld [smem:$0x3FFD];
	_ =	sdelay $0x3  }
0x97: {  	_ =	strace s4  }
0x98: {  	_ =	strace $0x8FFFFFFF  }
0x99: {  	s19 =	sld [smem:$0x3FDB];
	_ =	sdelay $0x1  }
0x9a: {  	s5 =	simm.s32 $_scs_section_size  }
0x9b: {  	s6 =	simm.s32 $_size__tile_overlayer_lowered;
	s7 =	simm.s32 $_tile_overlayer_lowered  }
0x9c: {  	s22 =	simm.s32 $0x1BFF;
	s21 =	sshll.u32 s7, $0x1;
	s4 =	sadd.s32 s5, s19  }
0x9d: {  	s8 =	simm.s32 $0x0;
	s20 =	sshll.u32 s6, $0x1;
	s6 =	sadd.s32 s21, s4  }
0x9e: {  	[timem:s8], [sflag:s22] =	dma.local [hbm:s6], s20  }
0x9f: {  	_ =	swait.ge [sflag:s22], s20  }
0xa0: {  	s5 =	ssub.s32 $0x0, s20;
	[sflag:s22] =	ssyncset.done $0x0  }
0xa1: {  	[sflag:s22] =	ssyncadd.s32 s5;
	_ =	sdelay $0x1  }
0xa2: {  	s23 =	simm.s32 $0x1B8B  }
0xa3: {  	_ =	swait.ge [sflag:s23], $0x1  }
0xa4: {  	[sflag:s23] =	ssyncset.done $0x0  }
0xa5: {  	s25 =	simm.s32 $0x1B8E;
	s24 =	sld [smem:$0x3FFE];
	[sflag:s23] =	ssyncadd.s32 $0xFFFFFFFF  }
0xa6: {  	s26 =	simm.s32 $execute0_lowered;
	[smem:$0x3FD2] =	sst s25  }
0xa7: {  	s6 =	sshll.u32 s26, $0x1;
	_ =	strace $0x80000046;
	[dreg:$0x1] =	wrdreg $0xFFFFFFFF  }
0xa8: {  	s28 =	simm.s32 $_size_execute0_lowered;
	s4 =	sadd.s32 s4, s6;
	[dreg:$0x0] =	wrdreg $0x0  }
0xa9: {  	s6 =	sshll.u32 s28, $0x1;
	[dreg:$0x2] =	wrdreg s4  }
0xaa: {  	[dreg:$0x3] =	wrdreg s6  }
0xab: {  	[dreg:$0x4] =	wrdreg $0xC0  }
0xac: {  	_ =	task [dreg:s8], $0x5FFFF  }
0xad: {  	[dreg:$0x1] =	wrdreg $0xFFFFFFFF  }
0xae: {  	[dreg:$0x0] =	wrdreg $0x60  }
0xaf: {  	[dreg:$0x2] =	wrdreg s24  }
0xb0: {  	[dreg:$0x3] =	wrdreg s2  }
0xb1: {  	[dreg:$0x4] =	wrdreg s18  }
0xb2: {  	[dreg:$0x5] =	wrdreg $0x14A000  }
0xb3: {  	[dreg:$0x6] =	wrdreg $0x9  }
0xb4: {  	_ =	task.clear_ibuf [dreg:s8], $0x7FFFF;
	_ =	strace $0x90000046  }
0xb5: {  	s29 =	simm.s32 $0x9;
	_ =	strace $0x80000048  }
0xb6: {  	_ =	swait.ge [sflag:s29], $0x1  }
0xb7: {  	[sflag:s29] =	ssyncadd.s32 $0xFFFFFFFF  }
0xb8: {  	_ =	strace $0x90000048  }
0xb9: {  	_ =	sfence  }
0xba: {  	s30 =	sld [smem:$0x0];
	_ =	sdelay $0x2  }
0xbb: {  	s31 =	sshll.u32 s1, $0xD;
	s1 =	sshrl.u32 s1, $0x2  }
0xbc: {  	s3 =	sand.u32 $0x4000, s31;
	s1 =	sadd.s32 s1, s30  }
0xbd: {  	s0 =	sor.u32 s3, s0;
	s1 =	sshll.u32 s1, $0x11  }
0xbe: {  	s0 =	sor.u32 s1, s0  }
0xbf: {  	s0 =	sadd.s32 $0x8F2B, s0  }
0xc0: {  	[sflag:s0] =	ssyncadd.remote.s32 $0x1  }
0xc1: {  	_ =	sfence.sel $0xFFFF  }
0xc2: {  	[dreg:$0x0] =	wrdreg $0xFFFFFFFF;
	(pc) =	sbr.abs _section_cstart, $3  }
0xc3: {  	[dreg:$0x1] =	wrdreg $0xFFFFFFFF  }
0xc4: {  	_ =	task.clear_ibuf [dreg:s8], $0x2FFFF;
	_ =	strace $0x9FFFFFFF  }
0xc5: {  	(tm) =	ssettm $0x7FFFFFFF  }
tec
execute0_lowered:
.L_overlay_start_1:
0x0: {  	(tag) =	ssettag $0x1  }
0x1: {  	s4 =	rddreg [dreg:$0x0]  }
0x2: {  	s0 =	rddreg [dreg:$0x1]  }
0x3: {  	s2 =	srdreg.scid;
	s5 =	rddreg [dreg:$0x2]  }
0x4: {  	s3 =	simm.s32 $0x0;
	s6 =	sand.u32 $0x1, s2;
	s2 =	rddreg [dreg:$0x3]  }
0x5: {  	[smem:$0x7FF] =	sst s3;
	s4 =	sadd.s32 $0x800, s4  }
0x6: {  	s16 =	simm.s32 $0x1A00;
	_ =	strace $0x80000047;
	[smem:$0x7EB] =	sst s4  }
0x7: {  	s18 =	simm.s32 $0x100;
	[dreg:$0x9] =	wrdreg s16  }
0x8: {  	s19 =	simm.s32 $0x2A00;
	[dreg:$0xa] =	wrdreg s18  }
0x9: {  	s21 =	simm.s32 $0x180;
	[dreg:$0xb] =	wrdreg s19  }
0xa: {  	s1 =	stileid.u32;
	s22 =	simm.s32 $0x3A00;
	[dreg:$0xc] =	wrdreg s21  }
0xb: {  	s24 =	simm.s32 $0x200;
	s25 =	simm.s32 $0x4A00;
	[dreg:$0xd] =	wrdreg s22  }
0xc: {  	s26 =	simm.s32 $0x300;
	s30 =	simm.s32 $0x6A00;
	[dreg:$0xe] =	wrdreg s24  }
0xd: {  	s31 =	simm.s32 $0x380;
	s7 =	smul.u32 $0xA0000, s1;
	[dreg:$0xf] =	wrdreg s25  }
0xe: {  	s28 =	simm.s32 $0xFA00;
	s11 =	smul.u32 $0x14000, s1;
	[dreg:$0x10] =	wrdreg s26  }
0xf: {  	s10 =	sshll.u32 s1, $0x1;
	s23 =	smul.u32 $0x5000, s1;
	[dreg:$0x11] =	wrdreg s30  }
0x10: {  	p0 =	sne.s32 s1, $0x0;
	[dreg:$0x12] =	wrdreg s31;
	s16 =	simm.s32 $0x600  }
0x11: {  	s8 =	smul.u32 $0x50000, s6;
	s18 =	simm.s32 $0x680;
	[dreg:$0x1a] =	wrdreg s16  }
0x12: {  	s13 =	ssub.s32 $0x2, s6;
	s19 =	simm.s32 $0xDA00;
	[dreg:$0x1c] =	wrdreg s18  }
0x13: {  	s10 =	sor.u32 s6, s10;
	s21 =	simm.s32 $0xEA00;
	[dreg:$0x1d] =	wrdreg s19  }
0x14: {  	s12 =	smul.u32 $0xA000, s6;
	s22 =	simm.s32 $0x800;
	[dreg:$0x1f] =	wrdreg s21  }
0x15: {  	s6 =	smul.u32 $0x2800, s6;
	s24 =	simm.s32 $0x880;
	[smem:$0x7F6] =	sst s22  }
0x16: {  	s25 =	simm.s32 $0x11A00;
	s26 =	simm.s32 $0x900;
	[smem:$0x7F8] =	sst s24  }
0x17: {  	s30 =	simm.s32 $0x980;
	s31 =	simm.s32 $0x13A00;
	[smem:$0x7F9] =	sst s25  }
0x18: {  	s9 =	sshrl.u32 s13, $0x1;
	s15 =	smul.u32 $0x500, s10;
	[smem:$0x7FA] =	sst s26  }
0x19: {  	s10 =	simm.s32 $0x8A00;
	s16 =	simm.s32 $0x500;
	[smem:$0x7FC] =	sst s30  }
0x1a: {  	[smem:$0x7FD] =	sst s31;
	s7 =	sadd.s32 s8, s7;
	s4 =	ssub.s32 s13, s9  }
0x1b: {  	s29 =	sadd.s32 s6, s23;
	[dreg:$0x15] =	wrdreg s10;
	s23 =	simm.s32 $0x10A00  }
0x1c: {  	s8 =	sor.u32 $0xF000, s7;
	s17 =	sadd.s32 s0, s15;
	[smem:$0x7F7] =	sst s23  }
0x1d: {  	s14 =	sor.u32 $0xA000, s7;
	s4 =	smax.u32 s4, $0x1;
	[smem:$0x7EE] =	sst s17  }
0x1e: {  	s7 =	sor.u32 $0x5000, s7;
	s15 =	simm.s32 $0xBA00;
	[smem:$0x7F0] =	sst s4  }
0x1f: {  	s6 =	sadd.s32 $0x1180, s29;
	s20 =	sadd.s32 $0xA0, s17;
	[dreg:$0x19] =	wrdreg s15  }
0x20: {  	s8 =	sshrl.u32 s8, $0x3;
	s4 =	sshrl.u32 @!p0 s2, $0x3;
	[smem:$0x7ED] =	sst s20  }
0x21: {  	s7 =	sshrl.u32 s7, $0x3;
	s8 =	sadd.s32 s8, s5;
	[smem:$0x7F5] =	sst s4  }
0x22: {  	s6 =	sshrl.u32 s6, $0x3;
	s7 =	sadd.s32 s7, s5;
	[dreg:$0x5] =	wrdreg s8  }
0x23: {  	s18 =	simm.s32 $0x6;
	s6 =	sadd.s32 s6, s0;
	[dreg:$0x7] =	wrdreg s7  }
0x24: {  	s19 =	simm.s32 $0x80;
	s20 =	simm.s32 $0x700;
	[smem:$0x7F1] =	sst s6  }
0x25: {  	s21 =	simm.s32 $0x1;
	s7 =	sadd.s32 $0xF0, s17;
	[dreg:$0x1e] =	wrdreg s20  }
0x26: {  	s8 =	sshrl.u32 s14, $0x3;
	s14 =	simm.s32 $0x580;
	[smem:$0x7EF] =	sst s7  }
0x27: {  	s9 =	sadd.s32 $0xF00, s29;
	s8 =	sadd.s32 s8, s5;
	[dreg:$0x18] =	wrdreg s14  }
0x28: {  	s6 =	sshrl.u32 s9, $0x3;
	s7 =	simm.s32 $0x7A00;
	[dreg:$0x6] =	wrdreg s8  }
0x29: {  	s22 =	simm.s32 $0x7;
	s6 =	sadd.s32 s6, s0;
	[dreg:$0x13] =	wrdreg s7  }
0x2a: {  	s5 =	sadd.s32 s11, s5;
	s11 =	simm.s32 $0x480;
	[smem:$0x7F2] =	sst s6  }
0x2b: {  	s24 =	simm.s32 $0x8;
	s5 =	sadd.s32 s12, s5;
	[dreg:$0x16] =	wrdreg s11  }
0x2c: {  	s25 =	simm.s32 $0xAA00;
	s8 =	sadd.s32 $0x50, s17;
	[dreg:$0x8] =	wrdreg s5  }
0x2d: {  	s26 =	simm.s32 $0x9;
	s12 =	simm.s32 $0x9A00;
	[smem:$0x7EC] =	sst s8  }
0x2e: {  	s13 =	sadd.s32 $0xC80, s29;
	s17 =	simm.s32 $0xCA00;
	[dreg:$0x17] =	wrdreg s12  }
0x2f: {  	s6 =	sshrl.u32 s13, $0x3;
	s8 =	simm.s32 $0x400;
	[dreg:$0x1b] =	wrdreg s17  }
0x30: {  	s23 =	simm.s32 $0x5A00;
	s6 =	sadd.s32 s6, s0;
	[dreg:$0x14] =	wrdreg s8  }
0x31: {  	s15 =	simm.s32 $0x280;
	s5 =	sadd.s32 $0xA00, s29;
	[smem:$0x7F3] =	sst s6  }
0x32: {  	s20 =	simm.s32 $0xA00;
	s29 =	simm.s32 $0x12A00;
	[smem:$0x7F4] =	sst s5  }
0x33: {  	s17 =	simm.s32 $0x780;
	[smem:$0x7FB] =	sst s29;
	s5 =	simm.s32 $0x0  }
.LBB2_1:
0x34: {  	s1 =	sld [smem:$0x7EB]  }
0x35: {  	s4 =	sld [smem:$0x7F5];
	_ =	sdelay $0x1  }
0x36: {  	[smem:$0x7EA] =	sst s5;
	s5 =	simm.s32 @!p0 $0x1C0A  }
0x37: {  	[spmem:s4], [sflag:s5] =	dma.local @!p0 [hbm:s1], $0x38  }
0x38: {  	s5 =	simm.s32 @!p0 $0xA  }
0x39: {  	_ =	swait.ge @!p0 [sflag:s5], $0x38  }
0x3a: {  	[sflag:s5] =	ssyncset.done @!p0 $0x0  }
0x3b: {  	[sflag:s5] =	ssyncadd.s32 @!p0 $0xFFFFFFC8  }
0x3c: {  	[bflag:$0x0] =	sbarrier.arrive $0xFFFF  }
0x3d: {  	s13 =	sld [smem:$0x7EE];
	_ =	sdelay $0x1  }
0x3e: {  	s14 =	sld [smem:$0x7EC]  }
0x3f: {  	[tilespmem:s3], [sflag:$0x6] =	stream.linear.gather [hbm4b:s13+s3], $0x280, $0x38;
	[tilespmem:$0x14A20] =	vst v63  }
0x40: {  	s30 =	sld [smem:$0x7ED]  }
0x41: {  	[tilespmem:s15], [sflag:$0x7] =	stream.linear.gather [hbm4b:s14+s3], $0x280, $0x38;
	[tilespmem:$0x14A20] =	vst v63  }
0x42: {  	p2 =	por $0x1, $0x1;
	s31 =	sld [smem:$0x7EF]  }
0x43: {  	[tilespmem:s16], [sflag:$0x8] =	stream.linear.gather [hbm4b:s30+s3], $0x280, $0x38;
	[tilespmem:$0x14A20] =	vst v63  }
0x44: {  	s5 =	simm.s32 @!p2 $0x2  }
0x45: {  	[tilespmem:s17], [sflag:$0x9] =	stream.linear.gather [hbm4b:s31+s3], $0x280, $0x38;
	[tilespmem:$0x14A20] =	vst v63  }
0x46: {  	_ =	swait.ge @!p2 [sflag:s5], $0x5000  }
0x47: {  	[sflag:s5] =	ssyncset.done @!p2 $0x0  }
0x48: {  	[sflag:s5] =	ssyncadd.s32 @!p2 $0xFFFFB000  }
0x49: {  	_ =	swait.ge [sflag:s18], $0x280  }
0x4a: {  	s1 =	rddreg [dreg:$0xa]  }
0x4b: {  	s6 =	rddreg [dreg:$0xd];
	[sflag:s18] =	ssyncset.done $0x0  }
0x4c: {  	s7 =	rddreg [dreg:$0x9];
	[sflag:s18] =	ssyncadd.s32 $0xFFFFFD80  }
0x4d: {  	[tilespmem:s20], [sflag:$0x1] =	stream.indirect.gather [spmem:s2], $0x20, s3, s19, $0xb8;
	[tilespmem:$0x14A20] =	vst v63  }
0x4e: {  	s8 =	rddreg [dreg:$0xb]  }
0x4f: {  	[tilespmem:s7], [sflag:$0x1] =	stream.indirect.gather [spmem:s2], $0x20, s19, s19, $0xb8;
	[tilespmem:$0x14A20] =	vst v63  }
0x50: {  	s9 =	rddreg [dreg:$0xc]  }
0x51: {  	[tilespmem:s8], [sflag:$0x1] =	stream.indirect.gather [spmem:s2], $0x20, s1, s19, $0xb8;
	[tilespmem:$0x14A20] =	vst v63  }
0x52: {  	s4 =	rddreg [dreg:$0xf]  }
0x53: {  	[tilespmem:s6], [sflag:$0x1] =	stream.indirect.gather [spmem:s2], $0x20, s9, s19, $0xb8;
	[tilespmem:$0x14A20] =	vst v63  }
0x54: {  	s8 =	rddreg [dreg:$0xe]  }
0x55: {  	[tilespmem:s4], [sflag:$0x1] =	stream.indirect.gather [spmem:s2], $0x20, s8, s19, $0xb8;
	[tilespmem:$0x14A20] =	vst v63  }
0x56: {  	_ =	swait.ge [sflag:s21], $0x1000  }
0x57: {  	[sflag:s21] =	ssyncset.done $0x0  }
0x58: {  	[sflag:s21] =	ssyncadd.s32 $0xFFFFF000  }
0x59: {  	_ =	swait.ge [sflag:s21], $0x1000  }
0x5a: {  	[sflag:s21] =	ssyncset.done $0x0  }
0x5b: {  	[sflag:s21] =	ssyncadd.s32 $0xFFFFF000  }
0x5c: {  	_ =	swait.ge [sflag:s21], $0x1000  }
0x5d: {  	[sflag:s21] =	ssyncset.done $0x0  }
0x5e: {  	[sflag:s21] =	ssyncadd.s32 $0xFFFFF000  }
0x5f: {  	_ =	swait.ge [sflag:s21], $0x1000  }
0x60: {  	[sflag:s21] =	ssyncset.done $0x0  }
0x61: {  	[sflag:s21] =	ssyncadd.s32 $0xFFFFF000  }
0x62: {  	_ =	swait.ge [sflag:s21], $0x1000  }
0x63: {  	s11 =	sld [smem:$0x7F4];
	_ =	sdelay $0x1  }
0x64: {  	p1 =	por $0x0, $0x0  }
0x65: {  	s6 =	simm.s32 @!p1 $0x0;
	[sflag:s21] =	ssyncset.done $0x0;
	s5 =	sshrl.u32 @!p1 s11, $0x3  }
0x66: {  	s10 =	rddreg [dreg:$0x8];
	[sflag:s21] =	ssyncadd.s32 $0xFFFFF000;
	s5 =	sadd.s32 @!p1 s0, s5  }
0x67: {  	[tilespmem:s6], [sflag:$0x6] =	stream.linear.gather @!p1 [hbm4b:s5+s6], $0x280, $0x38;
	[tilespmem:$0x14A20] =	vst v63  }
0x68: {  	s7 =	simm.s32 @!p2 $0x3;
	s12 =	sadd.s32 $0x0, s10  }
0x69: {  	[hbm4b:s12+s3] =	stream.linear.scatter [tilespmem:s20], [sflag:$0x2], $0x5000, $0x38;
	[tilespmem:$0x14A20] =	vst v63  }
0x6a: {  	_ =	swait.ge @!p2 [sflag:s7], $0x5000  }
0x6b: {  	[sflag:s7] =	ssyncset.done @!p2 $0x0  }
0x6c: {  	[sflag:s7] =	ssyncadd.s32 @!p2 $0xFFFFB000  }
0x6d: {  	_ =	swait.ge [sflag:s22], $0x280  }
0x6e: {  	s13 =	rddreg [dreg:$0x12]  }
0x6f: {  	s30 =	rddreg [dreg:$0x10]  }
0x70: {  	[sflag:s22] =	ssyncset.done $0x0;
	s31 =	rddreg [dreg:$0x13]  }
0x71: {  	s1 =	rddreg [dreg:$0x11];
	[sflag:s22] =	ssyncadd.s32 $0xFFFFFD80  }
0x72: {  	[tilespmem:s23], [sflag:$0x1] =	stream.indirect.gather [spmem:s2], $0x20, s15, s19, $0xb8;
	[tilespmem:$0x14A20] =	vst v63  }
0x73: {  	s10 =	rddreg [dreg:$0x17]  }
0x74: {  	[tilespmem:s1], [sflag:$0x1] =	stream.indirect.gather [spmem:s2], $0x20, s30, s19, $0xb8;
	[tilespmem:$0x14A20] =	vst v63  }
0x75: {  	s14 =	rddreg [dreg:$0x15]  }
0x76: {  	[tilespmem:s31], [sflag:$0x1] =	stream.indirect.gather [spmem:s2], $0x20, s13, s19, $0xb8;
	[tilespmem:$0x14A20] =	vst v63  }
0x77: {  	s4 =	rddreg [dreg:$0x14]  }
0x78: {  	[tilespmem:s14], [sflag:$0x1] =	stream.indirect.gather [spmem:s2], $0x20, s4, s19, $0xb8;
	[tilespmem:$0x14A20] =	vst v63  }
0x79: {  	s9 =	rddreg [dreg:$0x16]  }
0x7a: {  	[tilespmem:s10], [sflag:$0x1] =	stream.indirect.gather [spmem:s2], $0x20, s9, s19, $0xb8;
	[tilespmem:$0x14A20] =	vst v63  }
0x7b: {  	_ =	swait.ge [sflag:s21], $0x1000  }
0x7c: {  	[sflag:s21] =	ssyncset.done $0x0  }
0x7d: {  	[sflag:s21] =	ssyncadd.s32 $0xFFFFF000  }
0x7e: {  	_ =	swait.ge [sflag:s21], $0x1000  }
0x7f: {  	[sflag:s21] =	ssyncset.done $0x0  }
0x80: {  	[sflag:s21] =	ssyncadd.s32 $0xFFFFF000  }
0x81: {  	_ =	swait.ge [sflag:s21], $0x1000  }
0x82: {  	[sflag:s21] =	ssyncset.done $0x0  }
0x83: {  	[sflag:s21] =	ssyncadd.s32 $0xFFFFF000  }
0x84: {  	_ =	swait.ge [sflag:s21], $0x1000  }
0x85: {  	[sflag:s21] =	ssyncset.done $0x0  }
0x86: {  	[sflag:s21] =	ssyncadd.s32 $0xFFFFF000  }
0x87: {  	_ =	swait.ge [sflag:s21], $0x1000  }
0x88: {  	s4 =	sld [smem:$0x7F3]  }
0x89: {  	[sflag:s21] =	ssyncset.done $0x0  }
0x8a: {  	s7 =	simm.s32 @!p1 $0x280;
	s12 =	rddreg [dreg:$0x7];
	[sflag:s21] =	ssyncadd.s32 $0xFFFFF000  }
0x8b: {  	[tilespmem:s7], [sflag:$0x7] =	stream.linear.gather @!p1 [hbm4b:s4+s6], $0x280, $0x38;
	[tilespmem:$0x14A20] =	vst v63  }
0x8c: {  	s5 =	sadd.s32 $0x0, s12;
	s7 =	simm.s32 @!p2 $0x4  }
0x8d: {  	[hbm4b:s5+s3] =	stream.linear.scatter [tilespmem:s23], [sflag:$0x3], $0x5000, $0x38;
	[tilespmem:$0x14A20] =	vst v63  }
0x8e: {  	_ =	swait.ge @!p2 [sflag:s7], $0x5000  }
0x8f: {  	[sflag:s7] =	ssyncset.done @!p2 $0x0  }
0x90: {  	[sflag:s7] =	ssyncadd.s32 @!p2 $0xFFFFB000  }
0x91: {  	_ =	swait.ge [sflag:s24], $0x280  }
0x92: {  	s13 =	rddreg [dreg:$0x18]  }
0x93: {  	s14 =	rddreg [dreg:$0x1a]  }
0x94: {  	[sflag:s24] =	ssyncset.done $0x0;
	s30 =	rddreg [dreg:$0x1b]  }
0x95: {  	s31 =	rddreg [dreg:$0x19];
	[sflag:s24] =	ssyncadd.s32 $0xFFFFFD80  }
0x96: {  	[tilespmem:s25], [sflag:$0x1] =	stream.indirect.gather [spmem:s2], $0x20, s16, s19, $0xb8;
	[tilespmem:$0x14A20] =	vst v63  }
0x97: {  	s1 =	rddreg [dreg:$0x1c]  }
0x98: {  	[tilespmem:s31], [sflag:$0x1] =	stream.indirect.gather [spmem:s2], $0x20, s13, s19, $0xb8;
	[tilespmem:$0x14A20] =	vst v63  }
0x99: {  	s12 =	rddreg [dreg:$0x1f]  }
0x9a: {  	[tilespmem:s30], [sflag:$0x1] =	stream.indirect.gather [spmem:s2], $0x20, s14, s19, $0xb8;
	[tilespmem:$0x14A20] =	vst v63  }
0x9b: {  	s13 =	rddreg [dreg:$0x1d]  }
0x9c: {  	[tilespmem:s13], [sflag:$0x1] =	stream.indirect.gather [spmem:s2], $0x20, s1, s19, $0xb8;
	[tilespmem:$0x14A20] =	vst v63  }
0x9d: {  	s30 =	rddreg [dreg:$0x1e]  }
0x9e: {  	[tilespmem:s12], [sflag:$0x1] =	stream.indirect.gather [spmem:s2], $0x20, s30, s19, $0xb8;
	[tilespmem:$0x14A20] =	vst v63  }
0x9f: {  	_ =	swait.ge [sflag:s21], $0x1000  }
0xa0: {  	[sflag:s21] =	ssyncset.done $0x0  }
0xa1: {  	[sflag:s21] =	ssyncadd.s32 $0xFFFFF000  }
0xa2: {  	_ =	swait.ge [sflag:s21], $0x1000  }
0xa3: {  	[sflag:s21] =	ssyncset.done $0x0  }
0xa4: {  	[sflag:s21] =	ssyncadd.s32 $0xFFFFF000  }
0xa5: {  	_ =	swait.ge [sflag:s21], $0x1000  }
0xa6: {  	[sflag:s21] =	ssyncset.done $0x0  }
0xa7: {  	[sflag:s21] =	ssyncadd.s32 $0xFFFFF000  }
0xa8: {  	_ =	swait.ge [sflag:s21], $0x1000  }
0xa9: {  	[sflag:s21] =	ssyncset.done $0x0  }
0xaa: {  	[sflag:s21] =	ssyncadd.s32 $0xFFFFF000  }
0xab: {  	_ =	swait.ge [sflag:s21], $0x1000  }
0xac: {  	s1 =	sld [smem:$0x7F2]  }
0xad: {  	[sflag:s21] =	ssyncset.done $0x0  }
0xae: {  	s7 =	simm.s32 @!p1 $0x500;
	s31 =	rddreg [dreg:$0x6];
	[sflag:s21] =	ssyncadd.s32 $0xFFFFF000  }
0xaf: {  	[tilespmem:s7], [sflag:$0x8] =	stream.linear.gather @!p1 [hbm4b:s1+s6], $0x280, $0x38;
	[tilespmem:$0x14A20] =	vst v63  }
0xb0: {  	s5 =	sadd.s32 $0x0, s31;
	s7 =	simm.s32 @!p2 $0x5  }
0xb1: {  	[hbm4b:s5+s3] =	stream.linear.scatter [tilespmem:s25], [sflag:$0x4], $0x5000, $0x38;
	[tilespmem:$0x14A20] =	vst v63  }
0xb2: {  	_ =	swait.ge @!p2 [sflag:s7], $0x5000  }
0xb3: {  	[sflag:s7] =	ssyncset.done @!p2 $0x0  }
0xb4: {  	[sflag:s7] =	ssyncadd.s32 @!p2 $0xFFFFB000  }
0xb5: {  	_ =	swait.ge [sflag:s26], $0x280  }
0xb6: {  	s10 =	sld [smem:$0x7F1];
	_ =	sdelay $0x1  }
0xb7: {  	s9 =	simm.s32 $0x2800;
	s29 =	sadd.s32 $0x140, s4;
	s14 =	sadd.s32 $0x140, s1  }
0xb8: {  	s5 =	sadd.s32 $0xA00, s11;
	s7 =	simm.s32 $0x0;
	s8 =	smov.u32 s10  }
.LBB2_2:
0xb9: {  	s1 =	sld [smem:$0x7FD]  }
0xba: {  	s30 =	sld [smem:$0x7FB]  }
0xbb: {  	s11 =	sld [smem:$0x7F9]  }
0xbc: {  	[sflag:s26] =	ssyncset.done $0x0;
	s12 =	sld [smem:$0x7F7]  }
0xbd: {  	s13 =	sld [smem:$0x7F6];
	[sflag:s26] =	ssyncadd.s32 $0xFFFFFD80  }
0xbe: {  	[tilespmem:s28], [sflag:$0x1] =	stream.indirect.gather [spmem:s2], $0x20, s17, s19, $0xb8;
	[tilespmem:$0x14A20] =	vst v63  }
0xbf: {  	s4 =	sld [smem:$0x7F8]  }
0xc0: {  	[tilespmem:s12], [sflag:$0x1] =	stream.indirect.gather [spmem:s2], $0x20, s13, s19, $0xb8;
	[tilespmem:$0x14A20] =	vst v63  }
0xc1: {  	s12 =	sld [smem:$0x7FA]  }
0xc2: {  	[tilespmem:s11], [sflag:$0x1] =	stream.indirect.gather [spmem:s2], $0x20, s4, s19, $0xb8;
	[tilespmem:$0x14A20] =	vst v63  }
0xc3: {  	s13 =	sld [smem:$0x7FC]  }
0xc4: {  	[tilespmem:s30], [sflag:$0x1] =	stream.indirect.gather [spmem:s2], $0x20, s12, s19, $0xb8;
	[tilespmem:$0x14A20] =	vst v63  }
0xc5: {  	_ = 	snop  }
0xc6: {  	[tilespmem:s1], [sflag:$0x1] =	stream.indirect.gather [spmem:s2], $0x20, s13, s19, $0xb8;
	[tilespmem:$0x14A20] =	vst v63  }
0xc7: {  	_ =	swait.ge [sflag:s21], $0x1000  }
0xc8: {  	[sflag:s21] =	ssyncset.done $0x0  }
0xc9: {  	[sflag:s21] =	ssyncadd.s32 $0xFFFFF000  }
0xca: {  	_ =	swait.ge [sflag:s21], $0x1000  }
0xcb: {  	[sflag:s21] =	ssyncset.done $0x0  }
0xcc: {  	[sflag:s21] =	ssyncadd.s32 $0xFFFFF000  }
0xcd: {  	_ =	swait.ge [sflag:s21], $0x1000  }
0xce: {  	[sflag:s21] =	ssyncset.done $0x0  }
0xcf: {  	[sflag:s21] =	ssyncadd.s32 $0xFFFFF000  }
0xd0: {  	_ =	swait.ge [sflag:s21], $0x1000  }
0xd1: {  	[sflag:s21] =	ssyncset.done $0x0  }
0xd2: {  	[sflag:s21] =	ssyncadd.s32 $0xFFFFF000  }
0xd3: {  	s31 =	smov.u32 s9;
	_ =	swait.ge [sflag:s21], $0x1000  }
0xd4: {  	p3 =	seq.s32 s31, $0x0;
	[sflag:s21] =	ssyncset.done $0x0  }
0xd5: {  	s4 =	simm.s32 @!p1 $0x780;
	s30 =	rddreg [dreg:$0x5];
	[sflag:s21] =	ssyncadd.s32 $0xFFFFF000  }
0xd6: {  	[tilespmem:s4], [sflag:$0x9] =	stream.linear.gather @!p1 [hbm4b:s10+s6], $0x280, $0x38;
	[tilespmem:$0x14A20] =	vst v63  }
0xd7: {  	s1 =	sadd.s32 s7, s30;
	s4 =	simm.s32 @!p3 $0x2  }
0xd8: {  	[hbm4b:s1+s3] =	stream.linear.scatter [tilespmem:s28], [sflag:$0x5], $0x5000, $0x38;
	[tilespmem:$0x14A20] =	vst v63  }
0xd9: {  	_ =	swait.ge @!p3 [sflag:s4], $0x5000  }
0xda: {  	[sflag:s4] =	ssyncset.done @!p3 $0x0  }
0xdb: {  	[sflag:s4] =	ssyncadd.s32 @!p3 $0xFFFFB000  }
0xdc: {  	_ =	swait.ge [sflag:s18], $0x280  }
0xdd: {  	s1 =	rddreg [dreg:$0xa]  }
0xde: {  	[sflag:s18] =	ssyncset.done $0x0;
	s4 =	rddreg [dreg:$0xd]  }
0xdf: {  	s11 =	rddreg [dreg:$0x9];
	[sflag:s18] =	ssyncadd.s32 $0xFFFFFD80  }
0xe0: {  	[tilespmem:s20], [sflag:$0x1] =	stream.indirect.gather [spmem:s2], $0x20, s3, s19, $0xb8;
	[tilespmem:$0x14A20] =	vst v63  }
0xe1: {  	s12 =	rddreg [dreg:$0xb]  }
0xe2: {  	[tilespmem:s11], [sflag:$0x1] =	stream.indirect.gather [spmem:s2], $0x20, s19, s19, $0xb8;
	[tilespmem:$0x14A20] =	vst v63  }
0xe3: {  	s13 =	rddreg [dreg:$0xc]  }
0xe4: {  	[tilespmem:s12], [sflag:$0x1] =	stream.indirect.gather [spmem:s2], $0x20, s1, s19, $0xb8;
	[tilespmem:$0x14A20] =	vst v63  }
0xe5: {  	s7 =	smov.u32 s31;
	s31 =	rddreg [dreg:$0xf]  }
0xe6: {  	[tilespmem:s4], [sflag:$0x1] =	stream.indirect.gather [spmem:s2], $0x20, s13, s19, $0xb8;
	[tilespmem:$0x14A20] =	vst v63  }
0xe7: {  	s30 =	rddreg [dreg:$0xe]  }
0xe8: {  	[tilespmem:s31], [sflag:$0x1] =	stream.indirect.gather [spmem:s2], $0x20, s30, s19, $0xb8;
	[tilespmem:$0x14A20] =	vst v63  }
0xe9: {  	_ =	swait.ge [sflag:s21], $0x1000  }
0xea: {  	[sflag:s21] =	ssyncset.done $0x0  }
0xeb: {  	[sflag:s21] =	ssyncadd.s32 $0xFFFFF000  }
0xec: {  	_ =	swait.ge [sflag:s21], $0x1000  }
0xed: {  	[sflag:s21] =	ssyncset.done $0x0  }
0xee: {  	[sflag:s21] =	ssyncadd.s32 $0xFFFFF000  }
0xef: {  	_ =	swait.ge [sflag:s21], $0x1000  }
0xf0: {  	[sflag:s21] =	ssyncset.done $0x0  }
0xf1: {  	[sflag:s21] =	ssyncadd.s32 $0xFFFFF000  }
0xf2: {  	_ =	swait.ge [sflag:s21], $0x1000  }
0xf3: {  	[sflag:s21] =	ssyncset.done $0x0  }
0xf4: {  	[sflag:s21] =	ssyncadd.s32 $0xFFFFF000  }
0xf5: {  	p1 =	seq.s32 s7, $0x7800;
	_ =	swait.ge [sflag:s21], $0x1000  }
0xf6: {  	s6 =	simm.s32 @!p1 $0x0;
	s1 =	sshrl.u32 @!p1 s5, $0x3;
	[sflag:s21] =	ssyncset.done $0x0  }
0xf7: {  	s1 =	sadd.s32 @!p1 s0, s1;
	s31 =	rddreg [dreg:$0x8];
	[sflag:s21] =	ssyncadd.s32 $0xFFFFF000  }
0xf8: {  	[tilespmem:s6], [sflag:$0x6] =	stream.linear.gather @!p1 [hbm4b:s1+s6], $0x280, $0x38;
	[tilespmem:$0x14A20] =	vst v63  }
0xf9: {  	s4 =	simm.s32 @!p3 $0x3;
	s11 =	sadd.s32 s7, s31  }
0xfa: {  	[hbm4b:s11+s3] =	stream.linear.scatter [tilespmem:s20], [sflag:$0x2], $0x5000, $0x38;
	[tilespmem:$0x14A20] =	vst v63  }
0xfb: {  	_ =	swait.ge @!p3 [sflag:s4], $0x5000  }
0xfc: {  	[sflag:s4] =	ssyncset.done @!p3 $0x0  }
0xfd: {  	[sflag:s4] =	ssyncadd.s32 @!p3 $0xFFFFB000  }
0xfe: {  	_ =	swait.ge [sflag:s22], $0x280  }
0xff: {  	s1 =	rddreg [dreg:$0x12]  }
0x100: {  	s12 =	rddreg [dreg:$0x10]  }
0x101: {  	[sflag:s22] =	ssyncset.done $0x0;
	s11 =	rddreg [dreg:$0x13]  }
0x102: {  	s31 =	rddreg [dreg:$0x11];
	[sflag:s22] =	ssyncadd.s32 $0xFFFFFD80  }
0x103: {  	[tilespmem:s23], [sflag:$0x1] =	stream.indirect.gather [spmem:s2], $0x20, s15, s19, $0xb8;
	[tilespmem:$0x14A20] =	vst v63  }
0x104: {  	s13 =	rddreg [dreg:$0x17]  }
0x105: {  	[tilespmem:s31], [sflag:$0x1] =	stream.indirect.gather [spmem:s2], $0x20, s12, s19, $0xb8;
	[tilespmem:$0x14A20] =	vst v63  }
0x106: {  	s30 =	rddreg [dreg:$0x15]  }
0x107: {  	[tilespmem:s11], [sflag:$0x1] =	stream.indirect.gather [spmem:s2], $0x20, s1, s19, $0xb8;
	[tilespmem:$0x14A20] =	vst v63  }
0x108: {  	s12 =	rddreg [dreg:$0x14]  }
0x109: {  	[tilespmem:s30], [sflag:$0x1] =	stream.indirect.gather [spmem:s2], $0x20, s12, s19, $0xb8;
	[tilespmem:$0x14A20] =	vst v63  }
0x10a: {  	s31 =	rddreg [dreg:$0x16]  }
0x10b: {  	[tilespmem:s13], [sflag:$0x1] =	stream.indirect.gather [spmem:s2], $0x20, s31, s19, $0xb8;
	[tilespmem:$0x14A20] =	vst v63  }
0x10c: {  	_ =	swait.ge [sflag:s21], $0x1000  }
0x10d: {  	[sflag:s21] =	ssyncset.done $0x0  }
0x10e: {  	[sflag:s21] =	ssyncadd.s32 $0xFFFFF000  }
0x10f: {  	_ =	swait.ge [sflag:s21], $0x1000  }
0x110: {  	[sflag:s21] =	ssyncset.done $0x0  }
0x111: {  	[sflag:s21] =	ssyncadd.s32 $0xFFFFF000  }
0x112: {  	_ =	swait.ge [sflag:s21], $0x1000  }
0x113: {  	[sflag:s21] =	ssyncset.done $0x0  }
0x114: {  	[sflag:s21] =	ssyncadd.s32 $0xFFFFF000  }
0x115: {  	_ =	swait.ge [sflag:s21], $0x1000  }
0x116: {  	[sflag:s21] =	ssyncset.done $0x0  }
0x117: {  	[sflag:s21] =	ssyncadd.s32 $0xFFFFF000  }
0x118: {  	_ =	swait.ge [sflag:s21], $0x1000  }
0x119: {  	[sflag:s21] =	ssyncset.done $0x0  }
0x11a: {  	s4 =	simm.s32 @!p1 $0x280;
	s11 =	rddreg [dreg:$0x7];
	[sflag:s21] =	ssyncadd.s32 $0xFFFFF000  }
0x11b: {  	[tilespmem:s4], [sflag:$0x7] =	stream.linear.gather @!p1 [hbm4b:s29+s6], $0x280, $0x38;
	[tilespmem:$0x14A20] =	vst v63  }
0x11c: {  	s1 =	sadd.s32 s7, s11;
	s4 =	simm.s32 @!p3 $0x4  }
0x11d: {  	[hbm4b:s1+s3] =	stream.linear.scatter [tilespmem:s23], [sflag:$0x3], $0x5000, $0x38;
	[tilespmem:$0x14A20] =	vst v63  }
0x11e: {  	_ =	swait.ge @!p3 [sflag:s4], $0x5000  }
0x11f: {  	[sflag:s4] =	ssyncset.done @!p3 $0x0  }
0x120: {  	[sflag:s4] =	ssyncadd.s32 @!p3 $0xFFFFB000  }
0x121: {  	_ =	swait.ge [sflag:s24], $0x280  }
0x122: {  	s12 =	rddreg [dreg:$0x18]  }
0x123: {  	s4 =	rddreg [dreg:$0x1a]  }
0x124: {  	[sflag:s24] =	ssyncset.done $0x0;
	s11 =	rddreg [dreg:$0x1b]  }
0x125: {  	s31 =	rddreg [dreg:$0x19];
	[sflag:s24] =	ssyncadd.s32 $0xFFFFFD80  }
0x126: {  	[tilespmem:s25], [sflag:$0x1] =	stream.indirect.gather [spmem:s2], $0x20, s16, s19, $0xb8;
	[tilespmem:$0x14A20] =	vst v63  }
0x127: {  	s13 =	rddreg [dreg:$0x1c]  }
0x128: {  	[tilespmem:s31], [sflag:$0x1] =	stream.indirect.gather [spmem:s2], $0x20, s12, s19, $0xb8;
	[tilespmem:$0x14A20] =	vst v63  }
0x129: {  	s30 =	rddreg [dreg:$0x1f]  }
0x12a: {  	[tilespmem:s11], [sflag:$0x1] =	stream.indirect.gather [spmem:s2], $0x20, s4, s19, $0xb8;
	[tilespmem:$0x14A20] =	vst v63  }
0x12b: {  	s31 =	rddreg [dreg:$0x1d]  }
0x12c: {  	[tilespmem:s31], [sflag:$0x1] =	stream.indirect.gather [spmem:s2], $0x20, s13, s19, $0xb8;
	[tilespmem:$0x14A20] =	vst v63  }
0x12d: {  	s12 =	rddreg [dreg:$0x1e]  }
0x12e: {  	[tilespmem:s30], [sflag:$0x1] =	stream.indirect.gather [spmem:s2], $0x20, s12, s19, $0xb8;
	[tilespmem:$0x14A20] =	vst v63  }
0x12f: {  	_ =	swait.ge [sflag:s21], $0x1000  }
0x130: {  	[sflag:s21] =	ssyncset.done $0x0  }
0x131: {  	[sflag:s21] =	ssyncadd.s32 $0xFFFFF000  }
0x132: {  	_ =	swait.ge [sflag:s21], $0x1000  }
0x133: {  	[sflag:s21] =	ssyncset.done $0x0  }
0x134: {  	[sflag:s21] =	ssyncadd.s32 $0xFFFFF000  }
0x135: {  	_ =	swait.ge [sflag:s21], $0x1000  }
0x136: {  	[sflag:s21] =	ssyncset.done $0x0  }
0x137: {  	[sflag:s21] =	ssyncadd.s32 $0xFFFFF000  }
0x138: {  	_ =	swait.ge [sflag:s21], $0x1000  }
0x139: {  	[sflag:s21] =	ssyncset.done $0x0  }
0x13a: {  	[sflag:s21] =	ssyncadd.s32 $0xFFFFF000  }
0x13b: {  	_ =	swait.ge [sflag:s21], $0x1000  }
0x13c: {  	s9 =	sadd.s32 $0x2800, s9;
	[sflag:s21] =	ssyncset.done $0x0  }
0x13d: {  	s4 =	simm.s32 @!p1 $0x500;
	s31 =	rddreg [dreg:$0x6];
	[sflag:s21] =	ssyncadd.s32 $0xFFFFF000  }
0x13e: {  	[tilespmem:s4], [sflag:$0x8] =	stream.linear.gather @!p1 [hbm4b:s14+s6], $0x280, $0x38;
	[tilespmem:$0x14A20] =	vst v63  }
0x13f: {  	p2 =	sne.s32 s9, $0xA000;
	s1 =	sadd.s32 s7, s31  }
0x140: {  	[hbm4b:s1+s3] =	stream.linear.scatter [tilespmem:s25], [sflag:$0x4], $0x5000, $0x38;
	[tilespmem:$0x14A20] =	vst v63  }
.Ltmp0:
0x141: {  	s4 =	simm.s32 @!p3 $0x5;
	(pc) =	sbr.rel @p2 .LBB2_2-.Ltmp0, $4  }
0x142: {  	_ =	swait.ge @!p3 [sflag:s4], $0x5000  }
0x143: {  	s8 =	sadd.s32 $0x140, s8;
	[sflag:s4] =	ssyncset.done @!p3 $0x0  }
0x144: {  	s10 =	smov.u32 s8;
	s5 =	sadd.s32 $0xA00, s5;
	[sflag:s4] =	ssyncadd.s32 @!p3 $0xFFFFB000  }
0x145: {  	s29 =	sadd.s32 $0x140, s29;
	s14 =	sadd.s32 $0x140, s14;
	_ =	swait.ge [sflag:s26], $0x280  }
0x146: {  	s1 =	sld [smem:$0x7FD]  }
0x147: {  	s4 =	sld [smem:$0x7FB]  }
0x148: {  	s5 =	sld [smem:$0x7F9]  }
0x149: {  	[sflag:s26] =	ssyncset.done $0x0;
	s8 =	sld [smem:$0x7F7]  }
0x14a: {  	s9 =	sld [smem:$0x7F6];
	[sflag:s26] =	ssyncadd.s32 $0xFFFFFD80  }
0x14b: {  	[tilespmem:s28], [sflag:$0x1] =	stream.indirect.gather [spmem:s2], $0x20, s17, s19, $0xb8;
	[tilespmem:$0x14A20] =	vst v63  }
0x14c: {  	s11 =	sld [smem:$0x7F8]  }
0x14d: {  	[tilespmem:s8], [sflag:$0x1] =	stream.indirect.gather [spmem:s2], $0x20, s9, s19, $0xb8;
	[tilespmem:$0x14A20] =	vst v63  }
0x14e: {  	s31 =	sld [smem:$0x7FA]  }
0x14f: {  	[tilespmem:s5], [sflag:$0x1] =	stream.indirect.gather [spmem:s2], $0x20, s11, s19, $0xb8;
	[tilespmem:$0x14A20] =	vst v63  }
0x150: {  	s9 =	sld [smem:$0x7FC]  }
0x151: {  	[tilespmem:s4], [sflag:$0x1] =	stream.indirect.gather [spmem:s2], $0x20, s31, s19, $0xb8;
	[tilespmem:$0x14A20] =	vst v63  }
0x152: {  	_ = 	snop  }
0x153: {  	[tilespmem:s1], [sflag:$0x1] =	stream.indirect.gather [spmem:s2], $0x20, s9, s19, $0xb8;
	[tilespmem:$0x14A20] =	vst v63  }
0x154: {  	_ =	swait.ge [sflag:s21], $0x1000  }
0x155: {  	[sflag:s21] =	ssyncset.done $0x0  }
0x156: {  	[sflag:s21] =	ssyncadd.s32 $0xFFFFF000  }
0x157: {  	_ =	swait.ge [sflag:s21], $0x1000  }
0x158: {  	[sflag:s21] =	ssyncset.done $0x0  }
0x159: {  	[sflag:s21] =	ssyncadd.s32 $0xFFFFF000  }
0x15a: {  	_ =	swait.ge [sflag:s21], $0x1000  }
0x15b: {  	[sflag:s21] =	ssyncset.done $0x0  }
0x15c: {  	[sflag:s21] =	ssyncadd.s32 $0xFFFFF000  }
0x15d: {  	_ =	swait.ge [sflag:s21], $0x1000  }
0x15e: {  	[sflag:s21] =	ssyncset.done $0x0  }
0x15f: {  	[sflag:s21] =	ssyncadd.s32 $0xFFFFF000  }
0x160: {  	_ =	swait.ge [sflag:s21], $0x1000  }
0x161: {  	[sflag:s21] =	ssyncset.done $0x0  }
0x162: {  	s4 =	simm.s32 @!p1 $0x780;
	s11 =	rddreg [dreg:$0x5];
	[sflag:s21] =	ssyncadd.s32 $0xFFFFF000  }
0x163: {  	[tilespmem:s4], [sflag:$0x9] =	stream.linear.gather @!p1 [hbm4b:s10+s6], $0x280, $0x38;
	[tilespmem:$0x14A20] =	vst v63  }
0x164: {  	s12 =	simm.s32 $0x2;
	s1 =	sadd.s32 s7, s11  }
0x165: {  	[hbm4b:s1+s3] =	stream.linear.scatter [tilespmem:s28], [sflag:$0x5], $0x5000, $0x38;
	[tilespmem:$0x14A20] =	vst v63  }
0x166: {  	_ =	swait.ge [sflag:s12], $0x5000  }
0x167: {  	[sflag:s12] =	ssyncset.done $0x0  }
0x168: {  	s13 =	simm.s32 $0x3;
	[sflag:s12] =	ssyncadd.s32 $0xFFFFB000  }
0x169: {  	_ =	swait.ge [sflag:s13], $0x5000  }
0x16a: {  	[sflag:s13] =	ssyncset.done $0x0  }
0x16b: {  	s14 =	simm.s32 $0x4;
	[sflag:s13] =	ssyncadd.s32 $0xFFFFB000  }
0x16c: {  	_ =	swait.ge [sflag:s14], $0x5000  }
0x16d: {  	[sflag:s14] =	ssyncset.done $0x0  }
0x16e: {  	s29 =	simm.s32 $0x5;
	[sflag:s14] =	ssyncadd.s32 $0xFFFFB000  }
0x16f: {  	_ =	swait.ge [sflag:s29], $0x5000  }
0x170: {  	s30 =	sld [smem:$0x7EA]  }
0x171: {  	s31 =	sld [smem:$0x7F0];
	_ =	sdelay $0x1  }
0x172: {  	s5 =	sadd.s32 $0x1, s30  }
0x173: {  	p1 =	sne.s32 s5, s31  }
.Ltmp1:
0x174: {  	_ = 	snop;
	(pc) =	sbr.rel @p1 .LBB2_1-.Ltmp1, $3  }
0x175: {  	_ =	sdelay $0x1  }
0x176: {  	[sflag:s29] =	ssyncset.done $0x0  }
0x177: {  	[sflag:s29] =	ssyncadd.s32 $0xFFFFB000  }
0x178: {  	_ =	sfence.sel $0x180000  }
0x179: {  	[bflag:$0x0] =	sbarrier.arrive $0xFFFF  }
0x17a: {  	_ =	strace $0x90000047  }
0x17b: {  	[bflag:$0x2] =	sbarrier.arrive $0xFFFF  }
0x17c: {  	s0 =	rddreg [dreg:$0x4]  }
0x17d: {  	s0 =	sadd.s32 @!p0 $0x100000, s0  }
0x17e: {  	[sflag:s0] =	ssyncadd.tile.s32 @!p0 $0x1;
	_ =	shalt  }
.Lfunc_end2:
_tile_overlayer_lowered:
.L_overlay_start_2:
0x17f: {  	(tag) =	ssettag $0x2  }
0x180: {  	s0 =	rddreg [dreg:$0x0];
	s2 =	stileid.u32  }
0x181: {  	s1 =	rddreg [dreg:$0x1];
	p0 =	sne.s32 s2, $0x0  }
0x182: {  	s3 =	rddreg [dreg:$0x2];
	[bflag:$0x3] =	sbarrier.arrive $0xFFFF;
	s2 =	simm.s32 @!p0 $0x1C0A  }
0x183: {  	[timem:s3], [sflag:s2] =	dma.local @!p0 [hbm:s0], s1  }
0x184: {  	s0 =	simm.s32 @!p0 $0xA  }
0x185: {  	_ =	swait.ge @!p0 [sflag:s0], s1  }
0x186: {  	s1 =	ssub.s32 @!p0 $0x0, s1;
	[sflag:s0] =	ssyncset.done @!p0 $0x0  }
0x187: {  	[sflag:s0] =	ssyncadd.s32 @!p0 s1  }
0x188: {  	[bflag:$0x3] =	sbarrier.arrive $0xFFFF  }
0x189: {  	_ =	shalt  }

// kernel: sparse-core-data-format-call.cloned.1.call-start
scs
called_computation_lowered:
.L_overlay_start_0:
0x0: {  	s2 =	sld [smem:$0x3FD9]  }
0x1: {  	s3 =	sld [smem:$0x3FFE];
	_ =	sdelay $0x1  }
0x2: {  	s1 =	srdreg.scid  }
0x3: {  	s0 =	sand.u32 $0x1, s1  }
0x4: {  	s18 =	sshll.u32 s0, $0xA;
	s2 =	sadd.s32 s3, s2  }
0x5: {  	s2 =	sadd.s32 s2, s18  }
0x6: {  	[smem:$0x3FC6] =	sst s2  }
0x7: {  	_ = 	snop  }
0x8: {  	s2 =	sld [smem:$0x3FD0];
	(tm) =	ssettm $0x1  }
0x9: {  	s19 =	sld [smem:$0x3FFB];
	_ =	sdelay $0x3  }
0xa: {  	_ =	strace s19  }
0xb: {  	s3 =	sld [smem:$0x3FFC];
	_ =	sdelay $0x3  }
0xc: {  	_ =	strace s3  }
0xd: {  	s3 =	sld [smem:$0x3FFD];
	_ =	sdelay $0x3  }
0xe: {  	_ =	strace s3  }
0xf: {  	_ =	strace $0x8FFFFFFF  }
0x10: {  	s20 =	sld [smem:$0x3FDB];
	_ =	sdelay $0x1  }
0x11: {  	s4 =	simm.s32 $_scs_section_size  }
0x12: {  	s5 =	simm.s32 $_size__tile_overlayer_lowered;
	s6 =	simm.s32 $_tile_overlayer_lowered  }
0x13: {  	s23 =	simm.s32 $0x1BFF;
	s22 =	sshll.u32 s6, $0x1;
	s3 =	sadd.s32 s4, s20  }
0x14: {  	s7 =	simm.s32 $0x0;
	s21 =	sshll.u32 s5, $0x1;
	s5 =	sadd.s32 s22, s3  }
0x15: {  	[timem:s7], [sflag:s23] =	dma.local [hbm:s5], s21  }
0x16: {  	_ =	swait.ge [sflag:s23], s21  }
0x17: {  	s4 =	ssub.s32 $0x0, s21;
	[sflag:s23] =	ssyncset.done $0x0  }
0x18: {  	[sflag:s23] =	ssyncadd.s32 s4;
	_ =	sdelay $0x1  }
0x19: {  	s24 =	simm.s32 $0x1B8B  }
0x1a: {  	_ =	swait.ge [sflag:s24], $0x1  }
0x1b: {  	[sflag:s24] =	ssyncset.done $0x0  }
0x1c: {  	s26 =	simm.s32 $0x1B8E;
	s25 =	sld [smem:$0x3FFE];
	[sflag:s24] =	ssyncadd.s32 $0xFFFFFFFF  }
0x1d: {  	s27 =	simm.s32 $execute0_lowered;
	[smem:$0x3FD2] =	sst s26  }
0x1e: {  	s5 =	sshll.u32 s27, $0x1;
	_ =	strace $0x80000049;
	[dreg:$0x1] =	wrdreg $0xFFFFFFFF  }
0x1f: {  	s28 =	simm.s32 $_size_execute0_lowered;
	s3 =	sadd.s32 s3, s5;
	[dreg:$0x0] =	wrdreg $0x0  }
0x20: {  	s5 =	sshll.u32 s28, $0x1;
	[dreg:$0x2] =	wrdreg s3  }
0x21: {  	[dreg:$0x3] =	wrdreg s5  }
0x22: {  	[dreg:$0x4] =	wrdreg $0xC0  }
0x23: {  	_ =	task [dreg:s7], $0x5FFFF  }
0x24: {  	[dreg:$0x1] =	wrdreg $0xFFFFFFFF  }
0x25: {  	[dreg:$0x0] =	wrdreg $0x60  }
0x26: {  	[dreg:$0x2] =	wrdreg s25  }
0x27: {  	[dreg:$0x3] =	wrdreg s2  }
0x28: {  	[dreg:$0x4] =	wrdreg $0x9  }
0x29: {  	_ =	task.clear_ibuf [dreg:s7], $0x5FFFF;
	_ =	strace $0x90000049  }
0x2a: {  	s29 =	simm.s32 $0x9;
	_ =	strace $0x8000004B  }
0x2b: {  	_ =	swait.ge [sflag:s29], $0x1  }
0x2c: {  	[sflag:s29] =	ssyncadd.s32 $0xFFFFFFFF  }
0x2d: {  	_ =	strace $0x9000004B  }
0x2e: {  	_ =	sfence  }
0x2f: {  	s30 =	sld [smem:$0x0];
	_ =	sdelay $0x2  }
0x30: {  	s31 =	sshll.u32 s1, $0xD;
	s1 =	sshrl.u32 s1, $0x2  }
0x31: {  	s3 =	sand.u32 $0x4000, s31;
	s1 =	sadd.s32 s1, s30  }
0x32: {  	s0 =	sor.u32 s3, s0;
	s1 =	sshll.u32 s1, $0x11  }
0x33: {  	s0 =	sor.u32 s1, s0  }
0x34: {  	s0 =	sadd.s32 $0x8F2B, s0  }
0x35: {  	[sflag:s0] =	ssyncadd.remote.s32 $0x1  }
0x36: {  	_ =	sfence.sel $0xFFFF  }
0x37: {  	[dreg:$0x0] =	wrdreg $0xFFFFFFFF;
	(pc) =	sbr.abs _section_cstart, $3  }
0x38: {  	[dreg:$0x1] =	wrdreg $0xFFFFFFFF  }
0x39: {  	_ =	task.clear_ibuf [dreg:s7], $0x2FFFF;
	_ =	strace $0x9FFFFFFF  }
0x3a: {  	(tm) =	ssettm $0x7FFFFFFF  }
0x3b: {  	_ =	shalt  }
tec
execute0_lowered:
.L_overlay_start_1:
0x0: {  	(tag) =	ssettag $0x1  }
0x1: {  	s0 =	srdreg.scid  }
0x2: {  	s1 =	sshll.u32 s0, $0x4  }
0x3: {  	s4 =	rddreg [dreg:$0x0];
	s0 =	stileid.u32;
	s1 =	sand.u32 $0x10, s1  }
0x4: {  	s2 =	rddreg [dreg:$0x1];
	s7 =	simm.s32 $0x1;
	s1 =	sor.u32 s0, s1  }
0x5: {  	s8 =	simm.s32 $0x2;
	s11 =	simm.s32 $0x0;
	s3 =	sshll.u32 s1, $0x7  }
0x6: {  	s10 =	simm.s32 $0x0;
	s4 =	sadd.s32 $0x800, s4;
	s6 =	ssub.s32 $0x50000, s3  }
.Ltmp0:
0x7: {  	s1 =	rddreg [dreg:$0x2];
	s5 =	sand.u32 $0xF80, s6;
	(pc) =	sbr.rel .LBB1_1-.Ltmp0, $4  }
0x8: {  	_ =	strace $0x8000004A;
	s9 =	smov.u32 s3;
	p0 =	sne.s32 s5, $0x0  }
0x9: {  	s6 =	sshrl.u32 s6, $0xC;
	s5 =	simm.s32 $0x1;
	s7 =	simm.s32 @!p0 $0x0  }
0xa: {  	[sflag:s5] =	ssyncpa.u1 $0x0;
	p0 =	por $0x0, $0x0;
	s6 =	sadd.s32 s7, s6  }
0xb: {  	[sflag:s8] =	ssyncpa.u1 $0x0;
	s8 =	simm.s32 $0x280000;
	s7 =	sadd.s32 $0x1, s6  }
.LBB1_4:
0xc: {  	s14 =	sshll.u32 s11, $0x3  }
0xd: {  	s30 =	sand.u32 $0x7F, s11;
	s15 =	sand.u32 $0xFFFFFC00, s14  }
0xe: {  	s11 =	sor.u32 s30, s15  }
0xf: {  	s15 =	smulhi.u32 $0xCCCCCCCD, s11  }
0x10: {  	s14 =	smulhi.u32 $0xCCCCCCCD, s14  }
0x11: {  	s15 =	sshrl.u32 s15, $0x12  }
0x12: {  	s14 =	sshrl.u32 s14, $0x12;
	s15 =	smul.u32 $0x50000, s15  }
0x13: {  	s14 =	sand.u32 $0x1F, s14  }
0x14: {  	s14 =	smul.u32 $0xA000, s14;
	s11 =	ssub.s32 s11, s15  }
0x15: {  	s15 =	sand.u32 $0x7, s11  }
0x16: {  	s14 =	sadd.s32 s2, s14;
	s11 =	sshrl.u32 s11, $0x3;
	s15 =	sshll.u32 s15, $0x12  }
0x17: {  	[tilespmem:s13+$0x0 ss:$0x81] =	vst.msk $0xffff, v0;
	s11 =	sadd.s32 s11, s14;
	s31 =	sor.u32 $0x400, s15  }
0x18: {  	[hbm4b:s11+s31] =	stream.strided.scatter [tilespmem:s12], [sflag:$0x2], $0x1000, s8, s31, $0x20;
	[tilespmem:$0x4040] =	vst v63  }
.LBB1_5:
0x19: {  	s13 =	sadd.s32 $0x1000, s9  }
0x1a: {  	p2 =	sgt.s32 s13, $0x4FFFF  }
0x1b: {  	s13 =	smov.u32 @p2 s3;
	p2 =	sne.s32 s10, s7  }
.Ltmp1:
0x1c: {  	p1 =	slt.u32 s10, $0x2;
	(pc) =	sbr.rel @!p2 .LBB1_6-.Ltmp1, $4  }
0x1d: {  	s12 =	simm.s32 @!p1 $0x2  }
0x1e: {  	s14 =	sadd.s32 $0x1, s10;
	_ =	swait.ge @!p1 [sflag:s12], $0x1000  }
0x1f: {  	s11 =	smov.u32 s9;
	p0 =	por !p0, !p0;
	[sflag:s12] =	ssyncset.done @!p1 $0x0  }
0x20: {  	s10 =	smov.u32 s14;
	s9 =	smov.u32 s13;
	[sflag:s12] =	ssyncadd.s32 @!p1 $0xFFFFF000  }
.LBB1_1:
0x21: {  	p1 =	sge.u32 s10, s6  }
0x22: {  	s12 =	sand.u32 @!p1 $0x1FFFFFF, s9  }
0x23: {  	s13 =	smulhi.u32 @!p1 $0xCCCCCD, s12;
	_ =	sdelay $0x1  }
0x24: {  	s13 =	sshrl.u32 @!p1 s13, $0xA  }
0x25: {  	s13 =	smul.u32 @!p1 $0x50000, s13;
	_ =	sdelay $0x1  }
0x26: {  	s31 =	sadd.s32 $0xFFFFFFFF, s10;
	s14 =	sxor.u32 @!p1 $0xFFFFFFFF, s10;
	s12 =	ssub.s32 @!p1 s12, s13  }
0x27: {  	s15 =	simm.s32 @!p1 $0x80;
	s14 =	sshll.u32 @!p1 s14, $0xC;
	s12 =	sshll.u32 @!p1 s12, $0x4  }
0x28: {  	s13 =	sand.u32 @!p1 $0x1000, s14;
	s14 =	simm.s32 @!p1 $0x20;
	s12 =	sadd.s32 @!p1 s4, s12  }
0x29: {  	[tilespmem:s13], [sflag:$0x1] =	stream.strided.gather @!p1 [hbm4b:s12+s14], $0x1000, s15, s14, $0x38;
	[tilespmem:$0x4040] =	vst v63  }
0x2a: {  	p1 =	sge.u32 s31, s6  }
.Ltmp2:
0x2b: {  	_ = 	snop;
	(pc) =	sbr.rel @p1 .LBB1_5-.Ltmp2, $1  }
0x2c: {  	_ =	sdelay $0x3  }
0x2d: {  	s12 =	simm.s32 $0x1  }
0x2e: {  	_ =	swait.ge [sflag:s5], $0x1000;
	s12 =	simm.s32 @!p0 $0x0  }
0x2f: {  	[sflag:s5] =	ssyncset.done $0x0;
	s13 =	sshll.u32 s12, $0xC  }
0x30: {  	[sflag:s5] =	ssyncadd.s32 $0xFFFFF000;
	s16 =	sor.u32 $0x10, s13  }
0x31: {  	s12 =	smul.u32 $0x4080, s12;
	v1 =	vld [tilespmem:s16+$0x0]  }
0x32: {  	s30 =	sand.u32 $0x1, s10;
	v0 =	vld [tilespmem:s16+$0xFFFFFFF0]  }
0x33: {  	s13 =	smul.u32 $0x4080, s30;
	s12 =	sshrl.u32 s12, $0x2  }
0x34: {  	s14 =	sor.u32 $0x2000, s12  }
0x35: {  	s31 =	sshrl.u32 s13, $0x2;
	s13 =	sadd.s32 $0x0, s14  }
0x36: {  	s15 =	simm.s32 $0x4;
	s16 =	sadd.s32 $0x20, s16;
	s12 =	sor.u32 $0x2000, s31;
	[tilespmem:s13+$0x810 ss:$0x81] =	vst.msk $0xffff, v1  }
.LBB1_3:
0x37: {  	v1 =	vld [tilespmem:s16+$0x0];
	p1 =	sne.s32 s15, $0x1FC;
	[tilespmem:s13+$0x0 ss:$0x81] =	vst.msk $0xffff, v0;
	s13 =	smov.u32 s15;
	s15 =	sadd.s32 $0x4, s15  }
.Ltmp3:
0x38: {  	v0 =	vld [tilespmem:s16+$0xFFFFFFF0];
	(pc) =	sbr.rel @p1 .LBB1_3-.Ltmp3, $4  }
0x39: {  	_ = 	snop  }
0x3a: {  	s13 =	sshra.s32 s13, $0x2  }
0x3b: {  	s13 =	sadd.s32 s13, s14  }
0x3c: {  	s16 =	sadd.s32 $0x20, s16;
	[tilespmem:s13+$0x810 ss:$0x81] =	vst.msk $0xffff, v1  }
.Ltmp4:
0x3d: {  	_ = 	snop;
	(pc) =	sbr.rel .LBB1_4-.Ltmp4, $1  }
0x3e: {  	_ =	sdelay $0x3  }
.LBB1_6:
0x3f: {  	_ =	sfence.sel $0x180000  }
0x40: {  	s2 =	simm.s32 $0x1;
	[bflag:$0x0] =	sbarrier.arrive $0xFFFF  }
0x41: {  	s31 =	simm.s32 $0x2;
	[sflag:s2] =	ssyncpa.u1 $0x1  }
0x42: {  	[sflag:s31] =	ssyncpa.u1 $0x1  }
0x43: {  	p0 =	sne.s32 s0, $0x0;
	_ =	strace $0x9000004A  }
0x44: {  	s0 =	sadd.s32 @!p0 $0x100000, s1;
	[bflag:$0x2] =	sbarrier.arrive $0xFFFF  }
0x45: {  	[sflag:s0] =	ssyncadd.tile.s32 @!p0 $0x1;
	_ =	shalt  }
.Lfunc_end1:
_tile_overlayer_lowered:
.L_overlay_start_2:
0x46: {  	(tag) =	ssettag $0x2  }
0x47: {  	s0 =	rddreg [dreg:$0x0];
	s2 =	stileid.u32  }
0x48: {  	s1 =	rddreg [dreg:$0x1];
	p0 =	sne.s32 s2, $0x0  }
0x49: {  	s3 =	rddreg [dreg:$0x2];
	[bflag:$0x3] =	sbarrier.arrive $0xFFFF;
	s2 =	simm.s32 @!p0 $0x1C01  }
0x4a: {  	[timem:s3], [sflag:s2] =	dma.local @!p0 [hbm:s0], s1  }
0x4b: {  	s0 =	simm.s32 @!p0 $0x1  }
0x4c: {  	_ =	swait.ge @!p0 [sflag:s0], s1  }
0x4d: {  	s1 =	ssub.s32 @!p0 $0x0, s1;
	[sflag:s0] =	ssyncset.done @!p0 $0x0  }
0x4e: {  	[sflag:s0] =	ssyncadd.s32 @!p0 s1  }
0x4f: {  	[bflag:$0x3] =	sbarrier.arrive $0xFFFF  }
0x50: {  	_ =	shalt  }

</sc_bundles>
